<compile_context>
chip_gen: v7x
topology: tpu7x:2x2x1
jax: 0.10.2.dev20260603
libtpu: 0.0.44.dev20260713+nightly
codegen_flags: <defaults>
</compile_context>

<pallas_src>
import jax
import jax.numpy as jnp
import numpy as np
from jax import lax
from jax.experimental import pallas as pl
from jax.experimental.pallas import tpu as pltpu
from jax.experimental.pallas import tpu_sc as plsc

N = 10000
E = 320000
D = 128
DE = 16
DSH = 9

_EB = 2560
_NC = 2
_NS = 16
_NW = _NC * _NS
_C = 80
_EPW = E // _NW
_CPW = _EPW // _C
_NPAD = 10240
_RPS = _NPAD // _NS

_E2 = E // 2
_EB2 = 1280

_PERM_LO = np.empty((D // 2,), np.int32)
_PERM_HI = np.empty((D // 2,), np.int32)
for _q in range(D // 32):
    for _k in range(16):
        _PERM_LO[_q * 16 + _k] = _q * 32 + _k
        _PERM_HI[_q * 16 + _k] = _q * 32 + 16 + _k


def _dot00(a, b):
    return lax.dot_general(a, b, (((0,), (0,)), ((), ())),
                           preferred_element_type=jnp.float32)


def _gate_half(eat, sht, w1, b1r, w2e, b2e, w2o, b2o, wshc):
    h1 = jnp.maximum(_dot00(eat, w1) + b1r, 0.0)
    we = jnp.dot(h1, w2e, preferred_element_type=jnp.float32) + b2e
    wo = jnp.dot(h1, w2o, preferred_element_type=jnp.float32) + b2o
    g = _dot00(sht, wshc)
    lo = lax.shift_right_logical(
        lax.bitcast_convert_type(we * g, jnp.int32), 16)
    hi = lax.bitcast_convert_type(wo * g, jnp.int32) & jnp.int32(-65536)
    return lo | hi


def _gate_body(eata_ref, eatb_ref, shta_ref, shtb_ref, w1_ref, b1c_ref,
               w2e_ref, b2e_ref, w2o_ref, b2o_ref, wshc_ref, o_ref):
    args = (w1_ref[...], b1c_ref[...], w2e_ref[...], b2e_ref[...],
            w2o_ref[...], b2o_ref[...], wshc_ref[...])
    pa = _gate_half(eata_ref[...], shta_ref[...], *args)
    pb = _gate_half(eatb_ref[...], shtb_ref[...], *args)
    o_ref[...] = jnp.concatenate([pa, pb], axis=1)


def _edge_gate(edge_attr, sh, W_e1, b_e1, W_e2, b_e2, w_sh):
    nb = _E2 // _EB2
    return pl.pallas_call(
        _gate_body,
        grid=(nb,),
        in_specs=[
            pl.BlockSpec((DE, _EB2), lambda i: (0, i)),
            pl.BlockSpec((DE, _EB2), lambda i: (0, i + _E2 // _EB2)),
            pl.BlockSpec((DSH, _EB2), lambda i: (0, i)),
            pl.BlockSpec((DSH, _EB2), lambda i: (0, i + _E2 // _EB2)),
            pl.BlockSpec((DE, D), lambda i: (0, 0)),
            pl.BlockSpec((1, D), lambda i: (0, 0)),
            pl.BlockSpec((D, D // 2), lambda i: (0, 0)),
            pl.BlockSpec((1, D // 2), lambda i: (0, 0)),
            pl.BlockSpec((D, D // 2), lambda i: (0, 0)),
            pl.BlockSpec((1, D // 2), lambda i: (0, 0)),
            pl.BlockSpec((DSH, 1), lambda i: (0, 0)),
        ],
        out_specs=pl.BlockSpec((_EB2, D), lambda i: (i, 0)),
        out_shape=jax.ShapeDtypeStruct((_E2, D), jnp.int32),
    )(edge_attr.T, edge_attr.T, sh.T, sh.T, W_e1, b_e1.reshape(1, D),
      W_e2[:, _PERM_LO], b_e2[_PERM_LO].reshape(1, D // 2),
      W_e2[:, _PERM_HI], b_e2[_PERM_HI].reshape(1, D // 2),
      w_sh.reshape(DSH, 1))


def _sc_body(w_hbm, sd_hbm, x_hbm, out_hbm,
             agg_sh, iv0, iv1, wv0, wv1, xv0, xv1, dv0, dv1,
             sem_i0, sem_i1, sem_w0, sem_w1, sem_x0, sem_x1,
             sem_s0, sem_s1):
    c = lax.axis_index("c")
    s = lax.axis_index("s")
    wid = s * _NC + c
    ebase = wid * _EPW

    iv = (iv0, iv1)
    wv = (wv0, wv1)
    xv = (xv0, xv1)
    dv = (dv0, dv1)
    semi = (sem_i0, sem_i1)
    semw = (sem_w0, sem_w1)
    semx = (sem_x0, sem_x1)
    sems = (sem_s0, sem_s1)

    def zero_row(r, carry):
        for q in range(D // 16):
            xv0[r, pl.ds(q * 16, 16)] = jnp.zeros((16,), jnp.float32)
        return carry

    lax.fori_loop(0, _C, zero_row, 0)
    for rep in range(_RPS // _C):
        pltpu.sync_copy(xv0, agg_sh.at[pl.ds(s * _RPS + rep * _C, _C)])
    plsc.subcore_barrier()

    rbase = wid * (_EPW // 2)

    def issue_iw(j, b):
        pltpu.async_copy(sd_hbm.at[wid, j], iv[b], semi[b])
        pltpu.async_copy(w_hbm.at[pl.ds(rbase + j * (_C // 2), _C // 2)],
                         wv[b], semw[b])

    def wait_idx(b):
        pltpu.make_async_copy(sd_hbm.at[wid, 0], iv[b], semi[b]).wait()

    def issue_gather(b):
        pltpu.async_copy(x_hbm.at[iv[b].at[0]], xv[b], semx[b])

    def wait_wx(b):
        pltpu.make_async_copy(w_hbm.at[pl.ds(0, _C // 2)], wv[b],
                              semw[b]).wait()
        pltpu.make_async_copy(x_hbm.at[pl.ds(0, _C)], xv[b], semx[b]).wait()

    def wait_scatter(b):
        pltpu.make_async_copy(x_hbm.at[pl.ds(0, _C)], xv[b], sems[b]).wait()

    def stage_next(j, b):
        @pl.when(j >= 1)
        def _():
            wait_scatter(1 - b)

        wait_idx(1 - b)
        issue_gather(1 - b)

    def process(j, b):
        wait_wx(b)

        def mul_row(rr, carry2):
            for half in range(2):
                r = rr + (_C // 2) * half
                for q in range(D // 32):
                    wi = wv[b][rr, pl.ds(half * (D // 2) + q * 16, 16)]
                    wl = lax.bitcast_convert_type(wi << 16, jnp.float32)
                    wh = lax.bitcast_convert_type(wi & jnp.int32(-65536),
                                                  jnp.float32)
                    sl_l = pl.ds(q * 32, 16)
                    sl_h = pl.ds(q * 32 + 16, 16)
                    xv[b][r, sl_l] = xv[b][r, sl_l] * wl
                    xv[b][r, sl_h] = xv[b][r, sl_h] * wh
            return carry2

        lax.fori_loop(0, _C // 2, mul_row, 0)
        for t in range(_C // 16):
            sl = pl.ds(t * 16, 16)
            dv[b][1, sl] = iv[b][1, sl]
        pltpu.async_copy(xv[b], agg_sh.at[dv[b].at[1]], sems[b], add=True)

        @pl.when(j + 2 < _CPW)
        def _():
            issue_iw(j + 2, b)

    issue_iw(0, 0)
    wait_idx(0)
    issue_gather(0)
    issue_iw(1, 1)

    def pair_body(i, carry):
        for b in range(2):
            j = i * 2 + b
            stage_next(j, b)
            process(j, b)
        return carry

    lax.fori_loop(0, (_CPW - 1) // 2, pair_body, 0)
    wait_scatter(1)
    process(_CPW - 1, 0)
    wait_scatter(0)

    plsc.subcore_barrier()
    pltpu.sync_copy(agg_sh.at[pl.ds(s * _RPS, _RPS)],
                    out_hbm.at[c, pl.ds(s * _RPS, _RPS)])


def _sc_scatter(w, sd, x):
    mesh = plsc.VectorSubcoreMesh(core_axis_name="c", subcore_axis_name="s")
    kern = pl.kernel(
        _sc_body,
        out_type=jax.ShapeDtypeStruct((_NC, _NPAD, D), jnp.float32),
        mesh=mesh,
        scratch_types=[
            pltpu.VMEM_SHARED((_NPAD, D), jnp.float32),
            pltpu.VMEM((2, _C), jnp.int32),
            pltpu.VMEM((2, _C), jnp.int32),
            pltpu.VMEM((_C // 2, D), jnp.int32),
            pltpu.VMEM((_C // 2, D), jnp.int32),
            pltpu.VMEM((_C, D), jnp.float32),
            pltpu.VMEM((_C, D), jnp.float32),
            pltpu.VMEM((2, _C), jnp.int32),
            pltpu.VMEM((2, _C), jnp.int32),
            pltpu.SemaphoreType.DMA,
            pltpu.SemaphoreType.DMA,
            pltpu.SemaphoreType.DMA,
            pltpu.SemaphoreType.DMA,
            pltpu.SemaphoreType.DMA,
            pltpu.SemaphoreType.DMA,
            pltpu.SemaphoreType.DMA,
            pltpu.SemaphoreType.DMA,
        ],
    )
    return kern(w, sd, x)


def _finish_body(p0_ref, p1_ref, x_ref, wo_ref, ws_ref, o_ref):
    agg = p0_ref[0] + p1_ref[0]
    o_ref[...] = jnp.maximum(
        jnp.dot(agg, wo_ref[...], preferred_element_type=jnp.float32)
        + jnp.dot(x_ref[...], ws_ref[...], preferred_element_type=jnp.float32),
        0.0)


def _finish(p, x, W_out, W_self):
    Bn = 1000
    return pl.pallas_call(
        _finish_body,
        grid=(N // Bn,),
        in_specs=[
            pl.BlockSpec((1, Bn, D), lambda i: (0, i, 0)),
            pl.BlockSpec((1, Bn, D), lambda i: (1, i, 0)),
            pl.BlockSpec((Bn, D), lambda i: (i, 0)),
            pl.BlockSpec((D, D), lambda i: (0, 0)),
            pl.BlockSpec((D, D), lambda i: (0, 0)),
        ],
        out_specs=pl.BlockSpec((Bn, D), lambda i: (i, 0)),
        out_shape=jax.ShapeDtypeStruct((N, D), jnp.float32),
    )(p, p, x, W_out, W_self)


def kernel(x, edge_index, edge_attr, sh, W_e1, b_e1, W_e2, b_e2, w_sh,
           W_self, W_out):
    sd = (edge_index.astype(jnp.int32)
          .reshape(2, 2, _NW, _CPW, _C // 2)
          .transpose(2, 3, 0, 1, 4)
          .reshape(_NW, _CPW, 2, _C))
    w = _edge_gate(edge_attr, sh, W_e1, b_e1, W_e2, b_e2, w_sh)
    p = _sc_scatter(w, sd, x)
    return _finish(p, x, W_out, W_self)

# --- scband reference (transcript-rebuilt; emitter-appended) ---
"""Pipeline reference for scband-net-30760555774507 (READ-ONLY COPY).

The authoritative reference and input builder live on the scoring server;
editing this copy changes nothing except your own understanding.
"""

import jax, jax.numpy as jnp
import numpy as np

N = 10000
E = 320000
D = 128
DE = 16
DSH = 9

def setup_inputs(seed: int = 0) -> dict:
    key = jax.random.key(seed)
    ks = jax.random.split(key, 12)
    x = jax.random.normal(ks[0], (N, D), dtype=jnp.float32)
    edge_index = jax.random.randint(ks[1], (2, E), 0, N, dtype=jnp.int64)
    edge_attr = jax.random.normal(ks[2], (E, DE), dtype=jnp.float32)
    sh = jax.random.normal(ks[3], (E, DSH), dtype=jnp.float32)
    # learned parameters: edge-attr MLP (encoder), sh mixing weights, self/out linear
    W_e1 = jax.random.normal(ks[4], (DE, D), dtype=jnp.float32) * 0.1
    b_e1 = jnp.zeros((D,), dtype=jnp.float32)
    W_e2 = jax.random.normal(ks[5], (D, D), dtype=jnp.float32) * 0.05
    b_e2 = jnp.zeros((D,), dtype=jnp.float32)
    w_sh = jax.random.normal(ks[6], (DSH,), dtype=jnp.float32) * 0.3
    W_self = jax.random.normal(ks[7], (D, D), dtype=jnp.float32) * 0.05
    W_out = jax.random.normal(ks[8], (D, D), dtype=jnp.float32) * 0.05
    return {"x": x, "edge_index": edge_index, "edge_attr": edge_attr, "sh": sh,
            "W_e1": W_e1, "b_e1": b_e1, "W_e2": W_e2, "b_e2": b_e2,
            "w_sh": w_sh, "W_self": W_self, "W_out": W_out}

def reference(x, edge_index, edge_attr, sh, W_e1, b_e1, W_e2, b_e2, w_sh, W_self, W_out):
    # Faithful simplification of one heterogeneous conv layer from Net.forward:
    #   src, dst = edge_index; xsrc = ft[src]; conv(dst, xsrc, xdst, sh, edge_attr)
    src = edge_index[0]
    dst = edge_index[1]
    # edge encoder: Linear -> ReLU -> Linear (dropout is identity at inference)
    h = jnp.maximum(edge_attr @ W_e1 + b_e1, 0.0) @ W_e2 + b_e2  # [E, D] edge gate
    g = sh @ w_sh  # [E] spherical-harmonic scalar weight
    xsrc = jnp.take(x, src, axis=0)  # gather source node features [E, D]
    msg = xsrc * h * g[:, None]  # per-edge message
    agg = jax.ops.segment_sum(msg, dst, num_segments=N)  # scatter-add to dst nodes
    out = jnp.maximum(agg @ W_out + x @ W_self, 0.0)  # update dst features
    return out

if __name__ == "__main__":
    import jax
    _d = setup_inputs()
    print(jax.jit(kernel)(*tuple(_d.values())))

</pallas_src>

<mosaic_0001>
#map = affine_map<(d0, d1) -> (0, 0)>
#map1 = affine_map<(d0, d1) -> (0, 0, 0, 0)>
#map2 = affine_map<(d0, d1) -> (0, 0, 0)>
module attributes {stable_mosaic.version = 14 : i64} {
  func.func @_sc_body(%arg0: i32, %arg1: i32, %arg2: memref<160000x128xi32, #tpu.memory_space<hbm>>, %arg3: memref<32x125x2x80xi32, #tpu.memory_space<hbm>>, %arg4: memref<10000x128xf32, #tpu.memory_space<hbm>>, %arg5: memref<2x10240x128xf32, #tpu.memory_space<hbm>>, %arg6: memref<10240x128xf32, #tpu.memory_space<vmem_shared>>, %arg7: memref<2x80xi32, #tpu.memory_space<vmem>>, %arg8: memref<2x80xi32, #tpu.memory_space<vmem>>, %arg9: memref<40x128xi32, #tpu.memory_space<vmem>>, %arg10: memref<40x128xi32, #tpu.memory_space<vmem>>, %arg11: memref<80x128xf32, #tpu.memory_space<vmem>>, %arg12: memref<80x128xf32, #tpu.memory_space<vmem>>, %arg13: memref<2x80xi32, #tpu.memory_space<vmem>>, %arg14: memref<2x80xi32, #tpu.memory_space<vmem>>, %arg15: memref<!tpu.dma_semaphore, #tpu.memory_space<semaphore_mem>>, %arg16: memref<!tpu.dma_semaphore, #tpu.memory_space<semaphore_mem>>, %arg17: memref<!tpu.dma_semaphore, #tpu.memory_space<semaphore_mem>>, %arg18: memref<!tpu.dma_semaphore, #tpu.memory_space<semaphore_mem>>, %arg19: memref<!tpu.dma_semaphore, #tpu.memory_space<semaphore_mem>>, %arg20: memref<!tpu.dma_semaphore, #tpu.memory_space<semaphore_mem>>, %arg21: memref<!tpu.dma_semaphore, #tpu.memory_space<semaphore_mem>>, %arg22: memref<!tpu.dma_semaphore, #tpu.memory_space<semaphore_mem>>) attributes {dimension_semantics = [#tpu.dimension_semantics<core_parallel>, #tpu.dimension_semantics<subcore_parallel>], iteration_bounds = array<i64: 2, 16>, scalar_prefetch = 0 : i64, scratch_operands = 17 : i64, tpu.core_type = #tpu.core_type<sc_vector_subcore>, window_params = [{transform_indices = #map}, {transform_indices = #map1}, {transform_indices = #map}, {transform_indices = #map2}]} {
    %mul3A = arith.constant 2 : i32
    %mul3A_0 = arith.muli %arg1, %mul3A : i32
    %add3A = arith.addi %mul3A_0, %arg0 : i32
    %mul3A_1 = arith.constant 10000 : i32
    %mul3A_2 = arith.muli %add3A, %mul3A_1 : i32
    %scan3A = arith.constant 0 : i32
    %scan3A_3 = arith.constant 0 : i32
    %scan3A_4 = arith.constant 80 : i32
    %scan3A_5 = arith.addi %scan3A_3, %scan3A_4 : i32
    %scan3A_6 = arith.constant 1 : i32
    scf.for %scan3A_187 = %scan3A_3 to %scan3A_5 step %scan3A_6  : i32 {
      %broadcast_in_dim3A = arith.constant 0.000000e+00 : f32
      %broadcast_in_dim3A_188 = vector.broadcast %broadcast_in_dim3A : f32 to vector<16xf32>
      %swap3A_189 = arith.index_cast %scan3A_187 : i32 to index
      %swap3A_190 = arith.constant 0 : index
      %swap3A_191 = tpu.vector_load %arg11[%swap3A_189, %swap3A_190] {strides = array<i32>} : memref<80x128xf32, #tpu.memory_space<vmem>>, vector<1x16xf32>,
      %swap3A_192 = vector.shape_cast %swap3A_191 : vector<1x16xf32> to vector<16xf32>
      %swap3A_193 = vector.shape_cast %broadcast_in_dim3A_188 : vector<16xf32> to vector<1x16xf32>
      tpu.vector_store %arg11[%swap3A_189, %swap3A_190], %swap3A_193 {strides = array<i32>} : memref<80x128xf32, #tpu.memory_space<vmem>>, vector<1x16xf32>,
      %broadcast_in_dim3A_194 = arith.constant 0.000000e+00 : f32
      %broadcast_in_dim3A_195 = vector.broadcast %broadcast_in_dim3A_194 : f32 to vector<16xf32>
      %swap3A_196 = arith.index_cast %scan3A_187 : i32 to index
      %swap3A_197 = arith.constant 16 : index
      %swap3A_198 = tpu.vector_load %arg11[%swap3A_196, %swap3A_197] {strides = array<i32>} : memref<80x128xf32, #tpu.memory_space<vmem>>, vector<1x16xf32>,
      %swap3A_199 = vector.shape_cast %swap3A_198 : vector<1x16xf32> to vector<16xf32>
      %swap3A_200 = vector.shape_cast %broadcast_in_dim3A_195 : vector<16xf32> to vector<1x16xf32>
      tpu.vector_store %arg11[%swap3A_196, %swap3A_197], %swap3A_200 {strides = array<i32>} : memref<80x128xf32, #tpu.memory_space<vmem>>, vector<1x16xf32>,
      %broadcast_in_dim3A_201 = arith.constant 0.000000e+00 : f32
      %broadcast_in_dim3A_202 = vector.broadcast %broadcast_in_dim3A_201 : f32 to vector<16xf32>
      %swap3A_203 = arith.index_cast %scan3A_187 : i32 to index
      %swap3A_204 = arith.constant 32 : index
      %swap3A_205 = tpu.vector_load %arg11[%swap3A_203, %swap3A_204] {strides = array<i32>} : memref<80x128xf32, #tpu.memory_space<vmem>>, vector<1x16xf32>,
      %swap3A_206 = vector.shape_cast %swap3A_205 : vector<1x16xf32> to vector<16xf32>
      %swap3A_207 = vector.shape_cast %broadcast_in_dim3A_202 : vector<16xf32> to vector<1x16xf32>
      tpu.vector_store %arg11[%swap3A_203, %swap3A_204], %swap3A_207 {strides = array<i32>} : memref<80x128xf32, #tpu.memory_space<vmem>>, vector<1x16xf32>,
      %broadcast_in_dim3A_208 = arith.constant 0.000000e+00 : f32
      %broadcast_in_dim3A_209 = vector.broadcast %broadcast_in_dim3A_208 : f32 to vector<16xf32>
      %swap3A_210 = arith.index_cast %scan3A_187 : i32 to index
      %swap3A_211 = arith.constant 48 : index
      %swap3A_212 = tpu.vector_load %arg11[%swap3A_210, %swap3A_211] {strides = array<i32>} : memref<80x128xf32, #tpu.memory_space<vmem>>, vector<1x16xf32>,
      %swap3A_213 = vector.shape_cast %swap3A_212 : vector<1x16xf32> to vector<16xf32>
      %swap3A_214 = vector.shape_cast %broadcast_in_dim3A_209 : vector<16xf32> to vector<1x16xf32>
      tpu.vector_store %arg11[%swap3A_210, %swap3A_211], %swap3A_214 {strides = array<i32>} : memref<80x128xf32, #tpu.memory_space<vmem>>, vector<1x16xf32>,
      %broadcast_in_dim3A_215 = arith.constant 0.000000e+00 : f32
      %broadcast_in_dim3A_216 = vector.broadcast %broadcast_in_dim3A_215 : f32 to vector<16xf32>
      %swap3A_217 = arith.index_cast %scan3A_187 : i32 to index
      %swap3A_218 = arith.constant 64 : index
      %swap3A_219 = tpu.vector_load %arg11[%swap3A_217, %swap3A_218] {strides = array<i32>} : memref<80x128xf32, #tpu.memory_space<vmem>>, vector<1x16xf32>,
      %swap3A_220 = vector.shape_cast %swap3A_219 : vector<1x16xf32> to vector<16xf32>
      %swap3A_221 = vector.shape_cast %broadcast_in_dim3A_216 : vector<16xf32> to vector<1x16xf32>
      tpu.vector_store %arg11[%swap3A_217, %swap3A_218], %swap3A_221 {strides = array<i32>} : memref<80x128xf32, #tpu.memory_space<vmem>>, vector<1x16xf32>,
      %broadcast_in_dim3A_222 = arith.constant 0.000000e+00 : f32
      %broadcast_in_dim3A_223 = vector.broadcast %broadcast_in_dim3A_222 : f32 to vector<16xf32>
      %swap3A_224 = arith.index_cast %scan3A_187 : i32 to index
      %swap3A_225 = arith.constant 80 : index
      %swap3A_226 = tpu.vector_load %arg11[%swap3A_224, %swap3A_225] {strides = array<i32>} : memref<80x128xf32, #tpu.memory_space<vmem>>, vector<1x16xf32>,
      %swap3A_227 = vector.shape_cast %swap3A_226 : vector<1x16xf32> to vector<16xf32>
      %swap3A_228 = vector.shape_cast %broadcast_in_dim3A_223 : vector<16xf32> to vector<1x16xf32>
      tpu.vector_store %arg11[%swap3A_224, %swap3A_225], %swap3A_228 {strides = array<i32>} : memref<80x128xf32, #tpu.memory_space<vmem>>, vector<1x16xf32>,
      %broadcast_in_dim3A_229 = arith.constant 0.000000e+00 : f32
      %broadcast_in_dim3A_230 = vector.broadcast %broadcast_in_dim3A_229 : f32 to vector<16xf32>
      %swap3A_231 = arith.index_cast %scan3A_187 : i32 to index
      %swap3A_232 = arith.constant 96 : index
      %swap3A_233 = tpu.vector_load %arg11[%swap3A_231, %swap3A_232] {strides = array<i32>} : memref<80x128xf32, #tpu.memory_space<vmem>>, vector<1x16xf32>,
      %swap3A_234 = vector.shape_cast %swap3A_233 : vector<1x16xf32> to vector<16xf32>
      %swap3A_235 = vector.shape_cast %broadcast_in_dim3A_230 : vector<16xf32> to vector<1x16xf32>
      tpu.vector_store %arg11[%swap3A_231, %swap3A_232], %swap3A_235 {strides = array<i32>} : memref<80x128xf32, #tpu.memory_space<vmem>>, vector<1x16xf32>,
      %broadcast_in_dim3A_236 = arith.constant 0.000000e+00 : f32
      %broadcast_in_dim3A_237 = vector.broadcast %broadcast_in_dim3A_236 : f32 to vector<16xf32>
      %swap3A_238 = arith.index_cast %scan3A_187 : i32 to index
      %swap3A_239 = arith.constant 112 : index
      %swap3A_240 = tpu.vector_load %arg11[%swap3A_238, %swap3A_239] {strides = array<i32>} : memref<80x128xf32, #tpu.memory_space<vmem>>, vector<1x16xf32>,
      %swap3A_241 = vector.shape_cast %swap3A_240 : vector<1x16xf32> to vector<16xf32>
      %swap3A_242 = vector.shape_cast %broadcast_in_dim3A_237 : vector<16xf32> to vector<1x16xf32>
      tpu.vector_store %arg11[%swap3A_238, %swap3A_239], %swap3A_242 {strides = array<i32>} : memref<80x128xf32, #tpu.memory_space<vmem>>, vector<1x16xf32>,
    }
    %scan3A_7 = arith.constant 80 : i32
    %mul3A_8 = arith.constant 640 : i32
    %mul3A_9 = arith.muli %arg1, %mul3A_8 : i32
    %add3A_10 = arith.constant 0 : i32
    %add3A_11 = arith.addi %mul3A_9, %add3A_10 : i32
    "tpu.region"() ({
      %run_scoped3A = tpu.sem_alloc : memref<!tpu.dma_semaphore, #tpu.memory_space<semaphore_mem>>
      %dma_start3A_187 = arith.constant 0 : i32
      %dma_start3A_188 = tpu.memref_slice %arg6[%add3A_11, %dma_start3A_187] : memref<10240x128xf32, #tpu.memory_space<vmem_shared>> -> memref<80x128xf32, #tpu.memory_space<vmem_shared>>
      %dma_start3A_189 = arith.constant 0 : i32
      %dma_start3A_190 = tpu.memref_slice %arg6[%add3A_11, %dma_start3A_189] : memref<10240x128xf32, #tpu.memory_space<vmem_shared>> -> memref<80x128xf32, #tpu.memory_space<vmem_shared>>
      tpu.enqueue_dma source(%arg11 : memref<80x128xf32, #tpu.memory_space<vmem>>) target(%dma_start3A_190 : memref<80x128xf32, #tpu.memory_space<vmem_shared>>) target_semaphore(%run_scoped3A : memref<!tpu.dma_semaphore, #tpu.memory_space<semaphore_mem>>)
      %dma_wait3A_191 = arith.constant 0 : i32
      %dma_wait3A_192 = tpu.memref_slice %arg6[%add3A_11, %dma_wait3A_191] : memref<10240x128xf32, #tpu.memory_space<vmem_shared>> -> memref<80x128xf32, #tpu.memory_space<vmem_shared>>
      %dma_wait3A_193 = arith.constant 0 : i32
      %dma_wait3A_194 = tpu.memref_slice %arg6[%add3A_11, %dma_wait3A_193] : memref<10240x128xf32, #tpu.memory_space<vmem_shared>> -> memref<80x128xf32, #tpu.memory_space<vmem_shared>>
      tpu.wait_dma2 semaphore(%run_scoped3A : memref<!tpu.dma_semaphore, #tpu.memory_space<semaphore_mem>>) src(%arg11 : memref<80x128xf32, #tpu.memory_space<vmem>>) dst(%dma_wait3A_194 : memref<80x128xf32, #tpu.memory_space<vmem_shared>>)
      tpu.yield
    }) : () -> ()
    %mul3A_12 = arith.constant 640 : i32
    %mul3A_13 = arith.muli %arg1, %mul3A_12 : i32
    %add3A_14 = arith.constant 80 : i32
    %add3A_15 = arith.addi %mul3A_13, %add3A_14 : i32
    "tpu.region"() ({
      %run_scoped3A = tpu.sem_alloc : memref<!tpu.dma_semaphore, #tpu.memory_space<semaphore_mem>>
      %dma_start3A_187 = arith.constant 0 : i32
      %dma_start3A_188 = tpu.memref_slice %arg6[%add3A_15, %dma_start3A_187] : memref<10240x128xf32, #tpu.memory_space<vmem_shared>> -> memref<80x128xf32, #tpu.memory_space<vmem_shared>>
      %dma_start3A_189 = arith.constant 0 : i32
      %dma_start3A_190 = tpu.memref_slice %arg6[%add3A_15, %dma_start3A_189] : memref<10240x128xf32, #tpu.memory_space<vmem_shared>> -> memref<80x128xf32, #tpu.memory_space<vmem_shared>>
      tpu.enqueue_dma source(%arg11 : memref<80x128xf32, #tpu.memory_space<vmem>>) target(%dma_start3A_190 : memref<80x128xf32, #tpu.memory_space<vmem_shared>>) target_semaphore(%run_scoped3A : memref<!tpu.dma_semaphore, #tpu.memory_space<semaphore_mem>>)
      %dma_wait3A_191 = arith.constant 0 : i32
      %dma_wait3A_192 = tpu.memref_slice %arg6[%add3A_15, %dma_wait3A_191] : memref<10240x128xf32, #tpu.memory_space<vmem_shared>> -> memref<80x128xf32, #tpu.memory_space<vmem_shared>>
      %dma_wait3A_193 = arith.constant 0 : i32
      %dma_wait3A_194 = tpu.memref_slice %arg6[%add3A_15, %dma_wait3A_193] : memref<10240x128xf32, #tpu.memory_space<vmem_shared>> -> memref<80x128xf32, #tpu.memory_space<vmem_shared>>
      tpu.wait_dma2 semaphore(%run_scoped3A : memref<!tpu.dma_semaphore, #tpu.memory_space<semaphore_mem>>) src(%arg11 : memref<80x128xf32, #tpu.memory_space<vmem>>) dst(%dma_wait3A_194 : memref<80x128xf32, #tpu.memory_space<vmem_shared>>)
      tpu.yield
    }) : () -> ()
    %mul3A_16 = arith.constant 640 : i32
    %mul3A_17 = arith.muli %arg1, %mul3A_16 : i32
    %add3A_18 = arith.constant 160 : i32
    %add3A_19 = arith.addi %mul3A_17, %add3A_18 : i32
    "tpu.region"() ({
      %run_scoped3A = tpu.sem_alloc : memref<!tpu.dma_semaphore, #tpu.memory_space<semaphore_mem>>
      %dma_start3A_187 = arith.constant 0 : i32
      %dma_start3A_188 = tpu.memref_slice %arg6[%add3A_19, %dma_start3A_187] : memref<10240x128xf32, #tpu.memory_space<vmem_shared>> -> memref<80x128xf32, #tpu.memory_space<vmem_shared>>
      %dma_start3A_189 = arith.constant 0 : i32
      %dma_start3A_190 = tpu.memref_slice %arg6[%add3A_19, %dma_start3A_189] : memref<10240x128xf32, #tpu.memory_space<vmem_shared>> -> memref<80x128xf32, #tpu.memory_space<vmem_shared>>
      tpu.enqueue_dma source(%arg11 : memref<80x128xf32, #tpu.memory_space<vmem>>) target(%dma_start3A_190 : memref<80x128xf32, #tpu.memory_space<vmem_shared>>) target_semaphore(%run_scoped3A : memref<!tpu.dma_semaphore, #tpu.memory_space<semaphore_mem>>)
      %dma_wait3A_191 = arith.constant 0 : i32
      %dma_wait3A_192 = tpu.memref_slice %arg6[%add3A_19, %dma_wait3A_191] : memref<10240x128xf32, #tpu.memory_space<vmem_shared>> -> memref<80x128xf32, #tpu.memory_space<vmem_shared>>
      %dma_wait3A_193 = arith.constant 0 : i32
      %dma_wait3A_194 = tpu.memref_slice %arg6[%add3A_19, %dma_wait3A_193] : memref<10240x128xf32, #tpu.memory_space<vmem_shared>> -> memref<80x128xf32, #tpu.memory_space<vmem_shared>>
      tpu.wait_dma2 semaphore(%run_scoped3A : memref<!tpu.dma_semaphore, #tpu.memory_space<semaphore_mem>>) src(%arg11 : memref<80x128xf32, #tpu.memory_space<vmem>>) dst(%dma_wait3A_194 : memref<80x128xf32, #tpu.memory_space<vmem_shared>>)
      tpu.yield
    }) : () -> ()
    %mul3A_20 = arith.constant 640 : i32
    %mul3A_21 = arith.muli %arg1, %mul3A_20 : i32
    %add3A_22 = arith.constant 240 : i32
    %add3A_23 = arith.addi %mul3A_21, %add3A_22 : i32
    "tpu.region"() ({
      %run_scoped3A = tpu.sem_alloc : memref<!tpu.dma_semaphore, #tpu.memory_space<semaphore_mem>>
      %dma_start3A_187 = arith.constant 0 : i32
      %dma_start3A_188 = tpu.memref_slice %arg6[%add3A_23, %dma_start3A_187] : memref<10240x128xf32, #tpu.memory_space<vmem_shared>> -> memref<80x128xf32, #tpu.memory_space<vmem_shared>>
      %dma_start3A_189 = arith.constant 0 : i32
      %dma_start3A_190 = tpu.memref_slice %arg6[%add3A_23, %dma_start3A_189] : memref<10240x128xf32, #tpu.memory_space<vmem_shared>> -> memref<80x128xf32, #tpu.memory_space<vmem_shared>>
      tpu.enqueue_dma source(%arg11 : memref<80x128xf32, #tpu.memory_space<vmem>>) target(%dma_start3A_190 : memref<80x128xf32, #tpu.memory_space<vmem_shared>>) target_semaphore(%run_scoped3A : memref<!tpu.dma_semaphore, #tpu.memory_space<semaphore_mem>>)
      %dma_wait3A_191 = arith.constant 0 : i32
      %dma_wait3A_192 = tpu.memref_slice %arg6[%add3A_23, %dma_wait3A_191] : memref<10240x128xf32, #tpu.memory_space<vmem_shared>> -> memref<80x128xf32, #tpu.memory_space<vmem_shared>>
      %dma_wait3A_193 = arith.constant 0 : i32
      %dma_wait3A_194 = tpu.memref_slice %arg6[%add3A_23, %dma_wait3A_193] : memref<10240x128xf32, #tpu.memory_space<vmem_shared>> -> memref<80x128xf32, #tpu.memory_space<vmem_shared>>
      tpu.wait_dma2 semaphore(%run_scoped3A : memref<!tpu.dma_semaphore, #tpu.memory_space<semaphore_mem>>) src(%arg11 : memref<80x128xf32, #tpu.memory_space<vmem>>) dst(%dma_wait3A_194 : memref<80x128xf32, #tpu.memory_space<vmem_shared>>)
      tpu.yield
    }) : () -> ()
    %mul3A_24 = arith.constant 640 : i32
    %mul3A_25 = arith.muli %arg1, %mul3A_24 : i32
    %add3A_26 = arith.constant 320 : i32
    %add3A_27 = arith.addi %mul3A_25, %add3A_26 : i32
    "tpu.region"() ({
      %run_scoped3A = tpu.sem_alloc : memref<!tpu.dma_semaphore, #tpu.memory_space<semaphore_mem>>
      %dma_start3A_187 = arith.constant 0 : i32
      %dma_start3A_188 = tpu.memref_slice %arg6[%add3A_27, %dma_start3A_187] : memref<10240x128xf32, #tpu.memory_space<vmem_shared>> -> memref<80x128xf32, #tpu.memory_space<vmem_shared>>
      %dma_start3A_189 = arith.constant 0 : i32
      %dma_start3A_190 = tpu.memref_slice %arg6[%add3A_27, %dma_start3A_189] : memref<10240x128xf32, #tpu.memory_space<vmem_shared>> -> memref<80x128xf32, #tpu.memory_space<vmem_shared>>
      tpu.enqueue_dma source(%arg11 : memref<80x128xf32, #tpu.memory_space<vmem>>) target(%dma_start3A_190 : memref<80x128xf32, #tpu.memory_space<vmem_shared>>) target_semaphore(%run_scoped3A : memref<!tpu.dma_semaphore, #tpu.memory_space<semaphore_mem>>)
      %dma_wait3A_191 = arith.constant 0 : i32
      %dma_wait3A_192 = tpu.memref_slice %arg6[%add3A_27, %dma_wait3A_191] : memref<10240x128xf32, #tpu.memory_space<vmem_shared>> -> memref<80x128xf32, #tpu.memory_space<vmem_shared>>
      %dma_wait3A_193 = arith.constant 0 : i32
      %dma_wait3A_194 = tpu.memref_slice %arg6[%add3A_27, %dma_wait3A_193] : memref<10240x128xf32, #tpu.memory_space<vmem_shared>> -> memref<80x128xf32, #tpu.memory_space<vmem_shared>>
      tpu.wait_dma2 semaphore(%run_scoped3A : memref<!tpu.dma_semaphore, #tpu.memory_space<semaphore_mem>>) src(%arg11 : memref<80x128xf32, #tpu.memory_space<vmem>>) dst(%dma_wait3A_194 : memref<80x128xf32, #tpu.memory_space<vmem_shared>>)
      tpu.yield
    }) : () -> ()
    %mul3A_28 = arith.constant 640 : i32
    %mul3A_29 = arith.muli %arg1, %mul3A_28 : i32
    %add3A_30 = arith.constant 400 : i32
    %add3A_31 = arith.addi %mul3A_29, %add3A_30 : i32
    "tpu.region"() ({
      %run_scoped3A = tpu.sem_alloc : memref<!tpu.dma_semaphore, #tpu.memory_space<semaphore_mem>>
      %dma_start3A_187 = arith.constant 0 : i32
      %dma_start3A_188 = tpu.memref_slice %arg6[%add3A_31, %dma_start3A_187] : memref<10240x128xf32, #tpu.memory_space<vmem_shared>> -> memref<80x128xf32, #tpu.memory_space<vmem_shared>>
      %dma_start3A_189 = arith.constant 0 : i32
      %dma_start3A_190 = tpu.memref_slice %arg6[%add3A_31, %dma_start3A_189] : memref<10240x128xf32, #tpu.memory_space<vmem_shared>> -> memref<80x128xf32, #tpu.memory_space<vmem_shared>>
      tpu.enqueue_dma source(%arg11 : memref<80x128xf32, #tpu.memory_space<vmem>>) target(%dma_start3A_190 : memref<80x128xf32, #tpu.memory_space<vmem_shared>>) target_semaphore(%run_scoped3A : memref<!tpu.dma_semaphore, #tpu.memory_space<semaphore_mem>>)
      %dma_wait3A_191 = arith.constant 0 : i32
      %dma_wait3A_192 = tpu.memref_slice %arg6[%add3A_31, %dma_wait3A_191] : memref<10240x128xf32, #tpu.memory_space<vmem_shared>> -> memref<80x128xf32, #tpu.memory_space<vmem_shared>>
      %dma_wait3A_193 = arith.constant 0 : i32
      %dma_wait3A_194 = tpu.memref_slice %arg6[%add3A_31, %dma_wait3A_193] : memref<10240x128xf32, #tpu.memory_space<vmem_shared>> -> memref<80x128xf32, #tpu.memory_space<vmem_shared>>
      tpu.wait_dma2 semaphore(%run_scoped3A : memref<!tpu.dma_semaphore, #tpu.memory_space<semaphore_mem>>) src(%arg11 : memref<80x128xf32, #tpu.memory_space<vmem>>) dst(%dma_wait3A_194 : memref<80x128xf32, #tpu.memory_space<vmem_shared>>)
      tpu.yield
    }) : () -> ()
    %mul3A_32 = arith.constant 640 : i32
    %mul3A_33 = arith.muli %arg1, %mul3A_32 : i32
    %add3A_34 = arith.constant 480 : i32
    %add3A_35 = arith.addi %mul3A_33, %add3A_34 : i32
    "tpu.region"() ({
      %run_scoped3A = tpu.sem_alloc : memref<!tpu.dma_semaphore, #tpu.memory_space<semaphore_mem>>
      %dma_start3A_187 = arith.constant 0 : i32
      %dma_start3A_188 = tpu.memref_slice %arg6[%add3A_35, %dma_start3A_187] : memref<10240x128xf32, #tpu.memory_space<vmem_shared>> -> memref<80x128xf32, #tpu.memory_space<vmem_shared>>
      %dma_start3A_189 = arith.constant 0 : i32
      %dma_start3A_190 = tpu.memref_slice %arg6[%add3A_35, %dma_start3A_189] : memref<10240x128xf32, #tpu.memory_space<vmem_shared>> -> memref<80x128xf32, #tpu.memory_space<vmem_shared>>
      tpu.enqueue_dma source(%arg11 : memref<80x128xf32, #tpu.memory_space<vmem>>) target(%dma_start3A_190 : memref<80x128xf32, #tpu.memory_space<vmem_shared>>) target_semaphore(%run_scoped3A : memref<!tpu.dma_semaphore, #tpu.memory_space<semaphore_mem>>)
      %dma_wait3A_191 = arith.constant 0 : i32
      %dma_wait3A_192 = tpu.memref_slice %arg6[%add3A_35, %dma_wait3A_191] : memref<10240x128xf32, #tpu.memory_space<vmem_shared>> -> memref<80x128xf32, #tpu.memory_space<vmem_shared>>
      %dma_wait3A_193 = arith.constant 0 : i32
      %dma_wait3A_194 = tpu.memref_slice %arg6[%add3A_35, %dma_wait3A_193] : memref<10240x128xf32, #tpu.memory_space<vmem_shared>> -> memref<80x128xf32, #tpu.memory_space<vmem_shared>>
      tpu.wait_dma2 semaphore(%run_scoped3A : memref<!tpu.dma_semaphore, #tpu.memory_space<semaphore_mem>>) src(%arg11 : memref<80x128xf32, #tpu.memory_space<vmem>>) dst(%dma_wait3A_194 : memref<80x128xf32, #tpu.memory_space<vmem_shared>>)
      tpu.yield
    }) : () -> ()
    %mul3A_36 = arith.constant 640 : i32
    %mul3A_37 = arith.muli %arg1, %mul3A_36 : i32
    %add3A_38 = arith.constant 560 : i32
    %add3A_39 = arith.addi %mul3A_37, %add3A_38 : i32
    "tpu.region"() ({
      %run_scoped3A = tpu.sem_alloc : memref<!tpu.dma_semaphore, #tpu.memory_space<semaphore_mem>>
      %dma_start3A_187 = arith.constant 0 : i32
      %dma_start3A_188 = tpu.memref_slice %arg6[%add3A_39, %dma_start3A_187] : memref<10240x128xf32, #tpu.memory_space<vmem_shared>> -> memref<80x128xf32, #tpu.memory_space<vmem_shared>>
      %dma_start3A_189 = arith.constant 0 : i32
      %dma_start3A_190 = tpu.memref_slice %arg6[%add3A_39, %dma_start3A_189] : memref<10240x128xf32, #tpu.memory_space<vmem_shared>> -> memref<80x128xf32, #tpu.memory_space<vmem_shared>>
      tpu.enqueue_dma source(%arg11 : memref<80x128xf32, #tpu.memory_space<vmem>>) target(%dma_start3A_190 : memref<80x128xf32, #tpu.memory_space<vmem_shared>>) target_semaphore(%run_scoped3A : memref<!tpu.dma_semaphore, #tpu.memory_space<semaphore_mem>>)
      %dma_wait3A_191 = arith.constant 0 : i32
      %dma_wait3A_192 = tpu.memref_slice %arg6[%add3A_39, %dma_wait3A_191] : memref<10240x128xf32, #tpu.memory_space<vmem_shared>> -> memref<80x128xf32, #tpu.memory_space<vmem_shared>>
      %dma_wait3A_193 = arith.constant 0 : i32
      %dma_wait3A_194 = tpu.memref_slice %arg6[%add3A_39, %dma_wait3A_193] : memref<10240x128xf32, #tpu.memory_space<vmem_shared>> -> memref<80x128xf32, #tpu.memory_space<vmem_shared>>
      tpu.wait_dma2 semaphore(%run_scoped3A : memref<!tpu.dma_semaphore, #tpu.memory_space<semaphore_mem>>) src(%arg11 : memref<80x128xf32, #tpu.memory_space<vmem>>) dst(%dma_wait3A_194 : memref<80x128xf32, #tpu.memory_space<vmem_shared>>)
      tpu.yield
    }) : () -> ()
    %barrier3A = arith.constant 0 : index
    tpu.barrier barrier_id(%barrier3A)
    %mul3A_40 = arith.constant 5000 : i32
    %mul3A_41 = arith.muli %add3A, %mul3A_40 : i32
    %dma_start3A = arith.constant 0 : i32
    %dma_start3A_42 = arith.constant 0 : i32
    %dma_start3A_43 = arith.constant 0 : i32
    %dma_start3A_44 = tpu.memref_slice %arg3[%add3A, %dma_start3A, %dma_start3A_42, %dma_start3A_43] : memref<32x125x2x80xi32, #tpu.memory_space<hbm>> -> memref<1x1x2x80xi32, #tpu.memory_space<hbm>>
    %dma_start3A_45 = tpu.memref_squeeze %dma_start3A_44 : memref<1x1x2x80xi32, #tpu.memory_space<hbm>> -> memref<2x80xi32, #tpu.memory_space<hbm>>
    %dma_start3A_46 = arith.constant 0 : i32
    %dma_start3A_47 = arith.constant 0 : i32
    %dma_start3A_48 = tpu.memref_slice %arg3[%add3A, %dma_start3A, %dma_start3A_46, %dma_start3A_47] : memref<32x125x2x80xi32, #tpu.memory_space<hbm>> -> memref<1x1x2x80xi32, #tpu.memory_space<hbm>>
    %dma_start3A_49 = tpu.memref_squeeze %dma_start3A_48 : memref<1x1x2x80xi32, #tpu.memory_space<hbm>> -> memref<2x80xi32, #tpu.memory_space<hbm>>
    tpu.enqueue_dma source(%dma_start3A_49 : memref<2x80xi32, #tpu.memory_space<hbm>>) target(%arg7 : memref<2x80xi32, #tpu.memory_space<vmem>>) target_semaphore(%arg15 : memref<!tpu.dma_semaphore, #tpu.memory_space<semaphore_mem>>)
    %add3A_50 = arith.constant 0 : i32
    %add3A_51 = arith.addi %mul3A_41, %add3A_50 : i32
    %dma_start3A_52 = arith.constant 0 : i32
    %dma_start3A_53 = tpu.memref_slice %arg2[%add3A_51, %dma_start3A_52] : memref<160000x128xi32, #tpu.memory_space<hbm>> -> memref<40x128xi32, #tpu.memory_space<hbm>>
    %dma_start3A_54 = arith.constant 0 : i32
    %dma_start3A_55 = tpu.memref_slice %arg2[%add3A_51, %dma_start3A_54] : memref<160000x128xi32, #tpu.memory_space<hbm>> -> memref<40x128xi32, #tpu.memory_space<hbm>>
    tpu.enqueue_dma source(%dma_start3A_55 : memref<40x128xi32, #tpu.memory_space<hbm>>) target(%arg9 : memref<40x128xi32, #tpu.memory_space<vmem>>) target_semaphore(%arg17 : memref<!tpu.dma_semaphore, #tpu.memory_space<semaphore_mem>>)
    %dma_wait3A = arith.constant 0 : i32
    %dma_wait3A_56 = arith.constant 0 : i32
    %dma_wait3A_57 = arith.constant 0 : i32
    %dma_wait3A_58 = tpu.memref_slice %arg3[%add3A, %dma_wait3A, %dma_wait3A_56, %dma_wait3A_57] : memref<32x125x2x80xi32, #tpu.memory_space<hbm>> -> memref<1x1x2x80xi32, #tpu.memory_space<hbm>>
    %dma_wait3A_59 = tpu.memref_squeeze %dma_wait3A_58 : memref<1x1x2x80xi32, #tpu.memory_space<hbm>> -> memref<2x80xi32, #tpu.memory_space<hbm>>
    %dma_wait3A_60 = arith.constant 0 : i32
    %dma_wait3A_61 = arith.constant 0 : i32
    %dma_wait3A_62 = tpu.memref_slice %arg3[%add3A, %dma_wait3A, %dma_wait3A_60, %dma_wait3A_61] : memref<32x125x2x80xi32, #tpu.memory_space<hbm>> -> memref<1x1x2x80xi32, #tpu.memory_space<hbm>>
    %dma_wait3A_63 = tpu.memref_squeeze %dma_wait3A_62 : memref<1x1x2x80xi32, #tpu.memory_space<hbm>> -> memref<2x80xi32, #tpu.memory_space<hbm>>
    tpu.wait_dma2 semaphore(%arg15 : memref<!tpu.dma_semaphore, #tpu.memory_space<semaphore_mem>>) src(%dma_wait3A_63 : memref<2x80xi32, #tpu.memory_space<hbm>>) dst(%arg7 : memref<2x80xi32, #tpu.memory_space<vmem>>)
    %dma_start3A_64 = arith.constant 0 : i32
    %dma_start3A_65 = arith.constant 0 : i32
    %dma_start3A_66 = tpu.memref_slice %arg7[%dma_start3A_64, %dma_start3A_65] : memref<2x80xi32, #tpu.memory_space<vmem>> -> memref<1x80xi32, #tpu.memory_space<vmem>>
    %dma_start3A_67 = tpu.memref_squeeze %dma_start3A_66 : memref<1x80xi32, #tpu.memory_space<vmem>> -> memref<80xi32, #tpu.memory_space<vmem>>
    %dma_start3A_68 = arith.constant 0 : i32
    %dma_start3A_69 = arith.constant 0 : i32
    %dma_start3A_70 = tpu.memref_slice %arg4[%dma_start3A_68, %dma_start3A_69] : memref<10000x128xf32, #tpu.memory_space<hbm>> -> memref<10000x128xf32, #tpu.memory_space<hbm>>
    tpu.enqueue_indirect_dma source(%dma_start3A_70 : memref<10000x128xf32, #tpu.memory_space<hbm>>) target(%arg11 : memref<80x128xf32, #tpu.memory_space<vmem>>) offsets(%dma_start3A_67 : memref<80xi32, #tpu.memory_space<vmem>>) semaphore(%arg19 : memref<!tpu.dma_semaphore, #tpu.memory_space<semaphore_mem>>)
    %dma_start3A_71 = arith.constant 1 : i32
    %dma_start3A_72 = arith.constant 0 : i32
    %dma_start3A_73 = arith.constant 0 : i32
    %dma_start3A_74 = tpu.memref_slice %arg3[%add3A, %dma_start3A_71, %dma_start3A_72, %dma_start3A_73] : memref<32x125x2x80xi32, #tpu.memory_space<hbm>> -> memref<1x1x2x80xi32, #tpu.memory_space<hbm>>
    %dma_start3A_75 = tpu.memref_squeeze %dma_start3A_74 : memref<1x1x2x80xi32, #tpu.memory_space<hbm>> -> memref<2x80xi32, #tpu.memory_space<hbm>>
    %dma_start3A_76 = arith.constant 0 : i32
    %dma_start3A_77 = arith.constant 0 : i32
    %dma_start3A_78 = tpu.memref_slice %arg3[%add3A, %dma_start3A_71, %dma_start3A_76, %dma_start3A_77] : memref<32x125x2x80xi32, #tpu.memory_space<hbm>> -> memref<1x1x2x80xi32, #tpu.memory_space<hbm>>
    %dma_start3A_79 = tpu.memref_squeeze %dma_start3A_78 : memref<1x1x2x80xi32, #tpu.memory_space<hbm>> -> memref<2x80xi32, #tpu.memory_space<hbm>>
    tpu.enqueue_dma source(%dma_start3A_79 : memref<2x80xi32, #tpu.memory_space<hbm>>) target(%arg8 : memref<2x80xi32, #tpu.memory_space<vmem>>) target_semaphore(%arg16 : memref<!tpu.dma_semaphore, #tpu.memory_space<semaphore_mem>>)
    %add3A_80 = arith.constant 40 : i32
    %add3A_81 = arith.addi %mul3A_41, %add3A_80 : i32
    %dma_start3A_82 = arith.constant 0 : i32
    %dma_start3A_83 = tpu.memref_slice %arg2[%add3A_81, %dma_start3A_82] : memref<160000x128xi32, #tpu.memory_space<hbm>> -> memref<40x128xi32, #tpu.memory_space<hbm>>
    %dma_start3A_84 = arith.constant 0 : i32
    %dma_start3A_85 = tpu.memref_slice %arg2[%add3A_81, %dma_start3A_84] : memref<160000x128xi32, #tpu.memory_space<hbm>> -> memref<40x128xi32, #tpu.memory_space<hbm>>
    tpu.enqueue_dma source(%dma_start3A_85 : memref<40x128xi32, #tpu.memory_space<hbm>>) target(%arg10 : memref<40x128xi32, #tpu.memory_space<vmem>>) target_semaphore(%arg18 : memref<!tpu.dma_semaphore, #tpu.memory_space<semaphore_mem>>)
    %scan3A_86 = arith.constant 0 : i32
    %scan3A_87 = arith.constant 0 : i32
    %scan3A_88 = arith.constant 62 : i32
    %scan3A_89 = arith.addi %scan3A_87, %scan3A_88 : i32
    %scan3A_90 = arith.constant 1 : i32
    scf.for %scan3A_187 = %scan3A_87 to %scan3A_89 step %scan3A_90  : i32 {
      %mul3A_188 = arith.constant 2 : i32
      %mul3A_189 = arith.muli %scan3A_187, %mul3A_188 : i32
      %add3A_190 = arith.constant 0 : i32
      %add3A_191 = arith.addi %mul3A_189, %add3A_190 : i32
      %ge3A = arith.constant 1 : i32
      %ge3A_192 = arith.cmpi sge, %add3A_191, %ge3A : i32
      %convert_element_type3A = arith.extui %ge3A_192 : i1 to i32
      %cond3A = arith.constant 0 : i32
      %cond3A_193 = arith.cmpi ne, %convert_element_type3A, %cond3A : i32
      scf.if %cond3A_193 {
        %dma_wait3A_408 = arith.constant 0 : i32
        %dma_wait3A_409 = arith.constant 0 : i32
        %dma_wait3A_410 = tpu.memref_slice %arg4[%dma_wait3A_408, %dma_wait3A_409] : memref<10000x128xf32, #tpu.memory_space<hbm>> -> memref<80x128xf32, #tpu.memory_space<hbm>>
        %dma_wait3A_411 = arith.constant 0 : i32
        %dma_wait3A_412 = arith.constant 0 : i32
        %dma_wait3A_413 = tpu.memref_slice %arg4[%dma_wait3A_411, %dma_wait3A_412] : memref<10000x128xf32, #tpu.memory_space<hbm>> -> memref<80x128xf32, #tpu.memory_space<hbm>>
        tpu.wait_dma2 semaphore(%arg22 : memref<!tpu.dma_semaphore, #tpu.memory_space<semaphore_mem>>) src(%dma_wait3A_413 : memref<80x128xf32, #tpu.memory_space<hbm>>) dst(%arg12 : memref<80x128xf32, #tpu.memory_space<vmem>>)
      } else {
      }
      %dma_wait3A_194 = arith.constant 0 : i32
      %dma_wait3A_195 = arith.constant 0 : i32
      %dma_wait3A_196 = arith.constant 0 : i32
      %dma_wait3A_197 = tpu.memref_slice %arg3[%add3A, %dma_wait3A_194, %dma_wait3A_195, %dma_wait3A_196] : memref<32x125x2x80xi32, #tpu.memory_space<hbm>> -> memref<1x1x2x80xi32, #tpu.memory_space<hbm>>
      %dma_wait3A_198 = tpu.memref_squeeze %dma_wait3A_197 : memref<1x1x2x80xi32, #tpu.memory_space<hbm>> -> memref<2x80xi32, #tpu.memory_space<hbm>>
      %dma_wait3A_199 = arith.constant 0 : i32
      %dma_wait3A_200 = arith.constant 0 : i32
      %dma_wait3A_201 = tpu.memref_slice %arg3[%add3A, %dma_wait3A_194, %dma_wait3A_199, %dma_wait3A_200] : memref<32x125x2x80xi32, #tpu.memory_space<hbm>> -> memref<1x1x2x80xi32, #tpu.memory_space<hbm>>
      %dma_wait3A_202 = tpu.memref_squeeze %dma_wait3A_201 : memref<1x1x2x80xi32, #tpu.memory_space<hbm>> -> memref<2x80xi32, #tpu.memory_space<hbm>>
      tpu.wait_dma2 semaphore(%arg16 : memref<!tpu.dma_semaphore, #tpu.memory_space<semaphore_mem>>) src(%dma_wait3A_202 : memref<2x80xi32, #tpu.memory_space<hbm>>) dst(%arg8 : memref<2x80xi32, #tpu.memory_space<vmem>>)
      %dma_start3A_203 = arith.constant 0 : i32
      %dma_start3A_204 = arith.constant 0 : i32
      %dma_start3A_205 = tpu.memref_slice %arg8[%dma_start3A_203, %dma_start3A_204] : memref<2x80xi32, #tpu.memory_space<vmem>> -> memref<1x80xi32, #tpu.memory_space<vmem>>
      %dma_start3A_206 = tpu.memref_squeeze %dma_start3A_205 : memref<1x80xi32, #tpu.memory_space<vmem>> -> memref<80xi32, #tpu.memory_space<vmem>>
      %dma_start3A_207 = arith.constant 0 : i32
      %dma_start3A_208 = arith.constant 0 : i32
      %dma_start3A_209 = tpu.memref_slice %arg4[%dma_start3A_207, %dma_start3A_208] : memref<10000x128xf32, #tpu.memory_space<hbm>> -> memref<10000x128xf32, #tpu.memory_space<hbm>>
      tpu.enqueue_indirect_dma source(%dma_start3A_209 : memref<10000x128xf32, #tpu.memory_space<hbm>>) target(%arg12 : memref<80x128xf32, #tpu.memory_space<vmem>>) offsets(%dma_start3A_206 : memref<80xi32, #tpu.memory_space<vmem>>) semaphore(%arg20 : memref<!tpu.dma_semaphore, #tpu.memory_space<semaphore_mem>>)
      %dma_wait3A_210 = arith.constant 0 : i32
      %dma_wait3A_211 = arith.constant 0 : i32
      %dma_wait3A_212 = tpu.memref_slice %arg2[%dma_wait3A_210, %dma_wait3A_211] : memref<160000x128xi32, #tpu.memory_space<hbm>> -> memref<40x128xi32, #tpu.memory_space<hbm>>
      %dma_wait3A_213 = arith.constant 0 : i32
      %dma_wait3A_214 = arith.constant 0 : i32
      %dma_wait3A_215 = tpu.memref_slice %arg2[%dma_wait3A_213, %dma_wait3A_214] : memref<160000x128xi32, #tpu.memory_space<hbm>> -> memref<40x128xi32, #tpu.memory_space<hbm>>
      tpu.wait_dma2 semaphore(%arg17 : memref<!tpu.dma_semaphore, #tpu.memory_space<semaphore_mem>>) src(%dma_wait3A_215 : memref<40x128xi32, #tpu.memory_space<hbm>>) dst(%arg9 : memref<40x128xi32, #tpu.memory_space<vmem>>)
      %dma_wait3A_216 = arith.constant 0 : i32
      %dma_wait3A_217 = arith.constant 0 : i32
      %dma_wait3A_218 = tpu.memref_slice %arg4[%dma_wait3A_216, %dma_wait3A_217] : memref<10000x128xf32, #tpu.memory_space<hbm>> -> memref<80x128xf32, #tpu.memory_space<hbm>>
      %dma_wait3A_219 = arith.constant 0 : i32
      %dma_wait3A_220 = arith.constant 0 : i32
      %dma_wait3A_221 = tpu.memref_slice %arg4[%dma_wait3A_219, %dma_wait3A_220] : memref<10000x128xf32, #tpu.memory_space<hbm>> -> memref<80x128xf32, #tpu.memory_space<hbm>>
      tpu.wait_dma2 semaphore(%arg19 : memref<!tpu.dma_semaphore, #tpu.memory_space<semaphore_mem>>) src(%dma_wait3A_221 : memref<80x128xf32, #tpu.memory_space<hbm>>) dst(%arg11 : memref<80x128xf32, #tpu.memory_space<vmem>>)
      %scan3A_222 = arith.constant 0 : i32
      %scan3A_223 = arith.constant 0 : i32
      %scan3A_224 = arith.constant 40 : i32
      %scan3A_225 = arith.addi %scan3A_223, %scan3A_224 : i32
      %scan3A_226 = arith.constant 1 : i32
      scf.for %scan3A_408 = %scan3A_223 to %scan3A_225 step %scan3A_226  : i32 {
        %add3A_409 = arith.constant 0 : i32
        %add3A_410 = arith.addi %scan3A_408, %add3A_409 : i32
        %get3A_411 = arith.index_cast %scan3A_408 : i32 to index
        %get3A_412 = arith.constant 0 : index
        %get3A_413 = tpu.vector_load %arg9[%get3A_411, %get3A_412] {strides = array<i32>} : memref<40x128xi32, #tpu.memory_space<vmem>>, vector<1x16xi32>,
        %get3A_414 = vector.shape_cast %get3A_413 : vector<1x16xi32> to vector<16xi32>
        %shift_left3A = arith.constant 16 : i32
        %shift_left3A_415 = vector.broadcast %shift_left3A : i32 to vector<16xi32>
        %shift_left3A_416 = arith.shli %get3A_414, %shift_left3A_415 : vector<16xi32>
        %bitcast_convert_type3A = tpu.bitcast %shift_left3A_416 : vector<16xi32> -> vector<16xf32>
        %and3A = arith.constant -65536 : i32
        %and3A_417 = vector.broadcast %and3A : i32 to vector<16xi32>
        %and3A_418 = arith.andi %get3A_414, %and3A_417 : vector<16xi32>
        %bitcast_convert_type3A_419 = tpu.bitcast %and3A_418 : vector<16xi32> -> vector<16xf32>
        %get3A_420 = arith.index_cast %add3A_410 : i32 to index
        %get3A_421 = arith.constant 0 : index
        %get3A_422 = tpu.vector_load %arg11[%get3A_420, %get3A_421] {strides = array<i32>} : memref<80x128xf32, #tpu.memory_space<vmem>>, vector<1x16xf32>,
        %get3A_423 = vector.shape_cast %get3A_422 : vector<1x16xf32> to vector<16xf32>
        %mul3A_424 = arith.mulf %get3A_423, %bitcast_convert_type3A : vector<16xf32>
        %swap3A_425 = arith.index_cast %add3A_410 : i32 to index
        %swap3A_426 = arith.constant 0 : index
        %swap3A_427 = tpu.vector_load %arg11[%swap3A_425, %swap3A_426] {strides = array<i32>} : memref<80x128xf32, #tpu.memory_space<vmem>>, vector<1x16xf32>,
        %swap3A_428 = vector.shape_cast %swap3A_427 : vector<1x16xf32> to vector<16xf32>
        %swap3A_429 = vector.shape_cast %mul3A_424 : vector<16xf32> to vector<1x16xf32>
        tpu.vector_store %arg11[%swap3A_425, %swap3A_426], %swap3A_429 {strides = array<i32>} : memref<80x128xf32, #tpu.memory_space<vmem>>, vector<1x16xf32>,
        %get3A_430 = arith.index_cast %add3A_410 : i32 to index
        %get3A_431 = arith.constant 16 : index
        %get3A_432 = tpu.vector_load %arg11[%get3A_430, %get3A_431] {strides = array<i32>} : memref<80x128xf32, #tpu.memory_space<vmem>>, vector<1x16xf32>,
        %get3A_433 = vector.shape_cast %get3A_432 : vector<1x16xf32> to vector<16xf32>
        %mul3A_434 = arith.mulf %get3A_433, %bitcast_convert_type3A_419 : vector<16xf32>
        %swap3A_435 = arith.index_cast %add3A_410 : i32 to index
        %swap3A_436 = arith.constant 16 : index
        %swap3A_437 = tpu.vector_load %arg11[%swap3A_435, %swap3A_436] {strides = array<i32>} : memref<80x128xf32, #tpu.memory_space<vmem>>, vector<1x16xf32>,
        %swap3A_438 = vector.shape_cast %swap3A_437 : vector<1x16xf32> to vector<16xf32>
        %swap3A_439 = vector.shape_cast %mul3A_434 : vector<16xf32> to vector<1x16xf32>
        tpu.vector_store %arg11[%swap3A_435, %swap3A_436], %swap3A_439 {strides = array<i32>} : memref<80x128xf32, #tpu.memory_space<vmem>>, vector<1x16xf32>,
        %get3A_440 = arith.index_cast %scan3A_408 : i32 to index
        %get3A_441 = arith.constant 16 : index
        %get3A_442 = tpu.vector_load %arg9[%get3A_440, %get3A_441] {strides = array<i32>} : memref<40x128xi32, #tpu.memory_space<vmem>>, vector<1x16xi32>,
        %get3A_443 = vector.shape_cast %get3A_442 : vector<1x16xi32> to vector<16xi32>
        %shift_left3A_444 = arith.constant 16 : i32
        %shift_left3A_445 = vector.broadcast %shift_left3A_444 : i32 to vector<16xi32>
        %shift_left3A_446 = arith.shli %get3A_443, %shift_left3A_445 : vector<16xi32>
        %bitcast_convert_type3A_447 = tpu.bitcast %shift_left3A_446 : vector<16xi32> -> vector<16xf32>
        %and3A_448 = arith.constant -65536 : i32
        %and3A_449 = vector.broadcast %and3A_448 : i32 to vector<16xi32>
        %and3A_450 = arith.andi %get3A_443, %and3A_449 : vector<16xi32>
        %bitcast_convert_type3A_451 = tpu.bitcast %and3A_450 : vector<16xi32> -> vector<16xf32>
        %get3A_452 = arith.index_cast %add3A_410 : i32 to index
        %get3A_453 = arith.constant 32 : index
        %get3A_454 = tpu.vector_load %arg11[%get3A_452, %get3A_453] {strides = array<i32>} : memref<80x128xf32, #tpu.memory_space<vmem>>, vector<1x16xf32>,
        %get3A_455 = vector.shape_cast %get3A_454 : vector<1x16xf32> to vector<16xf32>
        %mul3A_456 = arith.mulf %get3A_455, %bitcast_convert_type3A_447 : vector<16xf32>
        %swap3A_457 = arith.index_cast %add3A_410 : i32 to index
        %swap3A_458 = arith.constant 32 : index
        %swap3A_459 = tpu.vector_load %arg11[%swap3A_457, %swap3A_458] {strides = array<i32>} : memref<80x128xf32, #tpu.memory_space<vmem>>, vector<1x16xf32>,
        %swap3A_460 = vector.shape_cast %swap3A_459 : vector<1x16xf32> to vector<16xf32>
        %swap3A_461 = vector.shape_cast %mul3A_456 : vector<16xf32> to vector<1x16xf32>
        tpu.vector_store %arg11[%swap3A_457, %swap3A_458], %swap3A_461 {strides = array<i32>} : memref<80x128xf32, #tpu.memory_space<vmem>>, vector<1x16xf32>,
        %get3A_462 = arith.index_cast %add3A_410 : i32 to index
        %get3A_463 = arith.constant 48 : index
        %get3A_464 = tpu.vector_load %arg11[%get3A_462, %get3A_463] {strides = array<i32>} : memref<80x128xf32, #tpu.memory_space<vmem>>, vector<1x16xf32>,
        %get3A_465 = vector.shape_cast %get3A_464 : vector<1x16xf32> to vector<16xf32>
        %mul3A_466 = arith.mulf %get3A_465, %bitcast_convert_type3A_451 : vector<16xf32>
        %swap3A_467 = arith.index_cast %add3A_410 : i32 to index
        %swap3A_468 = arith.constant 48 : index
        %swap3A_469 = tpu.vector_load %arg11[%swap3A_467, %swap3A_468] {strides = array<i32>} : memref<80x128xf32, #tpu.memory_space<vmem>>, vector<1x16xf32>,
        %swap3A_470 = vector.shape_cast %swap3A_469 : vector<1x16xf32> to vector<16xf32>
        %swap3A_471 = vector.shape_cast %mul3A_466 : vector<16xf32> to vector<1x16xf32>
        tpu.vector_store %arg11[%swap3A_467, %swap3A_468], %swap3A_471 {strides = array<i32>} : memref<80x128xf32, #tpu.memory_space<vmem>>, vector<1x16xf32>,
        %get3A_472 = arith.index_cast %scan3A_408 : i32 to index
        %get3A_473 = arith.constant 32 : index
        %get3A_474 = tpu.vector_load %arg9[%get3A_472, %get3A_473] {strides = array<i32>} : memref<40x128xi32, #tpu.memory_space<vmem>>, vector<1x16xi32>,
        %get3A_475 = vector.shape_cast %get3A_474 : vector<1x16xi32> to vector<16xi32>
        %shift_left3A_476 = arith.constant 16 : i32
        %shift_left3A_477 = vector.broadcast %shift_left3A_476 : i32 to vector<16xi32>
        %shift_left3A_478 = arith.shli %get3A_475, %shift_left3A_477 : vector<16xi32>
        %bitcast_convert_type3A_479 = tpu.bitcast %shift_left3A_478 : vector<16xi32> -> vector<16xf32>
        %and3A_480 = arith.constant -65536 : i32
        %and3A_481 = vector.broadcast %and3A_480 : i32 to vector<16xi32>
        %and3A_482 = arith.andi %get3A_475, %and3A_481 : vector<16xi32>
        %bitcast_convert_type3A_483 = tpu.bitcast %and3A_482 : vector<16xi32> -> vector<16xf32>
        %get3A_484 = arith.index_cast %add3A_410 : i32 to index
        %get3A_485 = arith.constant 64 : index
        %get3A_486 = tpu.vector_load %arg11[%get3A_484, %get3A_485] {strides = array<i32>} : memref<80x128xf32, #tpu.memory_space<vmem>>, vector<1x16xf32>,
        %get3A_487 = vector.shape_cast %get3A_486 : vector<1x16xf32> to vector<16xf32>
        %mul3A_488 = arith.mulf %get3A_487, %bitcast_convert_type3A_479 : vector<16xf32>
        %swap3A_489 = arith.index_cast %add3A_410 : i32 to index
        %swap3A_490 = arith.constant 64 : index
        %swap3A_491 = tpu.vector_load %arg11[%swap3A_489, %swap3A_490] {strides = array<i32>} : memref<80x128xf32, #tpu.memory_space<vmem>>, vector<1x16xf32>,
        %swap3A_492 = vector.shape_cast %swap3A_491 : vector<1x16xf32> to vector<16xf32>
        %swap3A_493 = vector.shape_cast %mul3A_488 : vector<16xf32> to vector<1x16xf32>
        tpu.vector_store %arg11[%swap3A_489, %swap3A_490], %swap3A_493 {strides = array<i32>} : memref<80x128xf32, #tpu.memory_space<vmem>>, vector<1x16xf32>,
        %get3A_494 = arith.index_cast %add3A_410 : i32 to index
        %get3A_495 = arith.constant 80 : index
        %get3A_496 = tpu.vector_load %arg11[%get3A_494, %get3A_495] {strides = array<i32>} : memref<80x128xf32, #tpu.memory_space<vmem>>, vector<1x16xf32>,
        %get3A_497 = vector.shape_cast %get3A_496 : vector<1x16xf32> to vector<16xf32>
        %mul3A_498 = arith.mulf %get3A_497, %bitcast_convert_type3A_483 : vector<16xf32>
        %swap3A_499 = arith.index_cast %add3A_410 : i32 to index
        %swap3A_500 = arith.constant 80 : index
        %swap3A_501 = tpu.vector_load %arg11[%swap3A_499, %swap3A_500] {strides = array<i32>} : memref<80x128xf32, #tpu.memory_space<vmem>>, vector<1x16xf32>,
        %swap3A_502 = vector.shape_cast %swap3A_501 : vector<1x16xf32> to vector<16xf32>
        %swap3A_503 = vector.shape_cast %mul3A_498 : vector<16xf32> to vector<1x16xf32>
        tpu.vector_store %arg11[%swap3A_499, %swap3A_500], %swap3A_503 {strides = array<i32>} : memref<80x128xf32, #tpu.memory_space<vmem>>, vector<1x16xf32>,
        %get3A_504 = arith.index_cast %scan3A_408 : i32 to index
        %get3A_505 = arith.constant 48 : index
        %get3A_506 = tpu.vector_load %arg9[%get3A_504, %get3A_505] {strides = array<i32>} : memref<40x128xi32, #tpu.memory_space<vmem>>, vector<1x16xi32>,
        %get3A_507 = vector.shape_cast %get3A_506 : vector<1x16xi32> to vector<16xi32>
        %shift_left3A_508 = arith.constant 16 : i32
        %shift_left3A_509 = vector.broadcast %shift_left3A_508 : i32 to vector<16xi32>
        %shift_left3A_510 = arith.shli %get3A_507, %shift_left3A_509 : vector<16xi32>
        %bitcast_convert_type3A_511 = tpu.bitcast %shift_left3A_510 : vector<16xi32> -> vector<16xf32>
        %and3A_512 = arith.constant -65536 : i32
        %and3A_513 = vector.broadcast %and3A_512 : i32 to vector<16xi32>
        %and3A_514 = arith.andi %get3A_507, %and3A_513 : vector<16xi32>
        %bitcast_convert_type3A_515 = tpu.bitcast %and3A_514 : vector<16xi32> -> vector<16xf32>
        %get3A_516 = arith.index_cast %add3A_410 : i32 to index
        %get3A_517 = arith.constant 96 : index
        %get3A_518 = tpu.vector_load %arg11[%get3A_516, %get3A_517] {strides = array<i32>} : memref<80x128xf32, #tpu.memory_space<vmem>>, vector<1x16xf32>,
        %get3A_519 = vector.shape_cast %get3A_518 : vector<1x16xf32> to vector<16xf32>
        %mul3A_520 = arith.mulf %get3A_519, %bitcast_convert_type3A_511 : vector<16xf32>
        %swap3A_521 = arith.index_cast %add3A_410 : i32 to index
        %swap3A_522 = arith.constant 96 : index
        %swap3A_523 = tpu.vector_load %arg11[%swap3A_521, %swap3A_522] {strides = array<i32>} : memref<80x128xf32, #tpu.memory_space<vmem>>, vector<1x16xf32>,
        %swap3A_524 = vector.shape_cast %swap3A_523 : vector<1x16xf32> to vector<16xf32>
        %swap3A_525 = vector.shape_cast %mul3A_520 : vector<16xf32> to vector<1x16xf32>
        tpu.vector_store %arg11[%swap3A_521, %swap3A_522], %swap3A_525 {strides = array<i32>} : memref<80x128xf32, #tpu.memory_space<vmem>>, vector<1x16xf32>,
        %get3A_526 = arith.index_cast %add3A_410 : i32 to index
        %get3A_527 = arith.constant 112 : index
        %get3A_528 = tpu.vector_load %arg11[%get3A_526, %get3A_527] {strides = array<i32>} : memref<80x128xf32, #tpu.memory_space<vmem>>, vector<1x16xf32>,
        %get3A_529 = vector.shape_cast %get3A_528 : vector<1x16xf32> to vector<16xf32>
        %mul3A_530 = arith.mulf %get3A_529, %bitcast_convert_type3A_515 : vector<16xf32>
        %swap3A_531 = arith.index_cast %add3A_410 : i32 to index
        %swap3A_532 = arith.constant 112 : index
        %swap3A_533 = tpu.vector_load %arg11[%swap3A_531, %swap3A_532] {strides = array<i32>} : memref<80x128xf32, #tpu.memory_space<vmem>>, vector<1x16xf32>,
        %swap3A_534 = vector.shape_cast %swap3A_533 : vector<1x16xf32> to vector<16xf32>
        %swap3A_535 = vector.shape_cast %mul3A_530 : vector<16xf32> to vector<1x16xf32>
        tpu.vector_store %arg11[%swap3A_531, %swap3A_532], %swap3A_535 {strides = array<i32>} : memref<80x128xf32, #tpu.memory_space<vmem>>, vector<1x16xf32>,
        %add3A_536 = arith.constant 40 : i32
        %add3A_537 = arith.addi %scan3A_408, %add3A_536 : i32
        %get3A_538 = arith.index_cast %scan3A_408 : i32 to index
        %get3A_539 = arith.constant 64 : index
        %get3A_540 = tpu.vector_load %arg9[%get3A_538, %get3A_539] {strides = array<i32>} : memref<40x128xi32, #tpu.memory_space<vmem>>, vector<1x16xi32>,
        %get3A_541 = vector.shape_cast %get3A_540 : vector<1x16xi32> to vector<16xi32>
        %shift_left3A_542 = arith.constant 16 : i32
        %shift_left3A_543 = vector.broadcast %shift_left3A_542 : i32 to vector<16xi32>
        %shift_left3A_544 = arith.shli %get3A_541, %shift_left3A_543 : vector<16xi32>
        %bitcast_convert_type3A_545 = tpu.bitcast %shift_left3A_544 : vector<16xi32> -> vector<16xf32>
        %and3A_546 = arith.constant -65536 : i32
        %and3A_547 = vector.broadcast %and3A_546 : i32 to vector<16xi32>
        %and3A_548 = arith.andi %get3A_541, %and3A_547 : vector<16xi32>
        %bitcast_convert_type3A_549 = tpu.bitcast %and3A_548 : vector<16xi32> -> vector<16xf32>
        %get3A_550 = arith.index_cast %add3A_537 : i32 to index
        %get3A_551 = arith.constant 0 : index
        %get3A_552 = tpu.vector_load %arg11[%get3A_550, %get3A_551] {strides = array<i32>} : memref<80x128xf32, #tpu.memory_space<vmem>>, vector<1x16xf32>,
        %get3A_553 = vector.shape_cast %get3A_552 : vector<1x16xf32> to vector<16xf32>
        %mul3A_554 = arith.mulf %get3A_553, %bitcast_convert_type3A_545 : vector<16xf32>
        %swap3A_555 = arith.index_cast %add3A_537 : i32 to index
        %swap3A_556 = arith.constant 0 : index
        %swap3A_557 = tpu.vector_load %arg11[%swap3A_555, %swap3A_556] {strides = array<i32>} : memref<80x128xf32, #tpu.memory_space<vmem>>, vector<1x16xf32>,
        %swap3A_558 = vector.shape_cast %swap3A_557 : vector<1x16xf32> to vector<16xf32>
        %swap3A_559 = vector.shape_cast %mul3A_554 : vector<16xf32> to vector<1x16xf32>
        tpu.vector_store %arg11[%swap3A_555, %swap3A_556], %swap3A_559 {strides = array<i32>} : memref<80x128xf32, #tpu.memory_space<vmem>>, vector<1x16xf32>,
        %get3A_560 = arith.index_cast %add3A_537 : i32 to index
        %get3A_561 = arith.constant 16 : index
        %get3A_562 = tpu.vector_load %arg11[%get3A_560, %get3A_561] {strides = array<i32>} : memref<80x128xf32, #tpu.memory_space<vmem>>, vector<1x16xf32>,
        %get3A_563 = vector.shape_cast %get3A_562 : vector<1x16xf32> to vector<16xf32>
        %mul3A_564 = arith.mulf %get3A_563, %bitcast_convert_type3A_549 : vector<16xf32>
        %swap3A_565 = arith.index_cast %add3A_537 : i32 to index
        %swap3A_566 = arith.constant 16 : index
        %swap3A_567 = tpu.vector_load %arg11[%swap3A_565, %swap3A_566] {strides = array<i32>} : memref<80x128xf32, #tpu.memory_space<vmem>>, vector<1x16xf32>,
        %swap3A_568 = vector.shape_cast %swap3A_567 : vector<1x16xf32> to vector<16xf32>
        %swap3A_569 = vector.shape_cast %mul3A_564 : vector<16xf32> to vector<1x16xf32>
        tpu.vector_store %arg11[%swap3A_565, %swap3A_566], %swap3A_569 {strides = array<i32>} : memref<80x128xf32, #tpu.memory_space<vmem>>, vector<1x16xf32>,
        %get3A_570 = arith.index_cast %scan3A_408 : i32 to index
        %get3A_571 = arith.constant 80 : index
        %get3A_572 = tpu.vector_load %arg9[%get3A_570, %get3A_571] {strides = array<i32>} : memref<40x128xi32, #tpu.memory_space<vmem>>, vector<1x16xi32>,
        %get3A_573 = vector.shape_cast %get3A_572 : vector<1x16xi32> to vector<16xi32>
        %shift_left3A_574 = arith.constant 16 : i32
        %shift_left3A_575 = vector.broadcast %shift_left3A_574 : i32 to vector<16xi32>
        %shift_left3A_576 = arith.shli %get3A_573, %shift_left3A_575 : vector<16xi32>
        %bitcast_convert_type3A_577 = tpu.bitcast %shift_left3A_576 : vector<16xi32> -> vector<16xf32>
        %and3A_578 = arith.constant -65536 : i32
        %and3A_579 = vector.broadcast %and3A_578 : i32 to vector<16xi32>
        %and3A_580 = arith.andi %get3A_573, %and3A_579 : vector<16xi32>
        %bitcast_convert_type3A_581 = tpu.bitcast %and3A_580 : vector<16xi32> -> vector<16xf32>
        %get3A_582 = arith.index_cast %add3A_537 : i32 to index
        %get3A_583 = arith.constant 32 : index
        %get3A_584 = tpu.vector_load %arg11[%get3A_582, %get3A_583] {strides = array<i32>} : memref<80x128xf32, #tpu.memory_space<vmem>>, vector<1x16xf32>,
        %get3A_585 = vector.shape_cast %get3A_584 : vector<1x16xf32> to vector<16xf32>
        %mul3A_586 = arith.mulf %get3A_585, %bitcast_convert_type3A_577 : vector<16xf32>
        %swap3A_587 = arith.index_cast %add3A_537 : i32 to index
        %swap3A_588 = arith.constant 32 : index
        %swap3A_589 = tpu.vector_load %arg11[%swap3A_587, %swap3A_588] {strides = array<i32>} : memref<80x128xf32, #tpu.memory_space<vmem>>, vector<1x16xf32>,
        %swap3A_590 = vector.shape_cast %swap3A_589 : vector<1x16xf32> to vector<16xf32>
        %swap3A_591 = vector.shape_cast %mul3A_586 : vector<16xf32> to vector<1x16xf32>
        tpu.vector_store %arg11[%swap3A_587, %swap3A_588], %swap3A_591 {strides = array<i32>} : memref<80x128xf32, #tpu.memory_space<vmem>>, vector<1x16xf32>,
        %get3A_592 = arith.index_cast %add3A_537 : i32 to index
        %get3A_593 = arith.constant 48 : index
        %get3A_594 = tpu.vector_load %arg11[%get3A_592, %get3A_593] {strides = array<i32>} : memref<80x128xf32, #tpu.memory_space<vmem>>, vector<1x16xf32>,
        %get3A_595 = vector.shape_cast %get3A_594 : vector<1x16xf32> to vector<16xf32>
        %mul3A_596 = arith.mulf %get3A_595, %bitcast_convert_type3A_581 : vector<16xf32>
        %swap3A_597 = arith.index_cast %add3A_537 : i32 to index
        %swap3A_598 = arith.constant 48 : index
        %swap3A_599 = tpu.vector_load %arg11[%swap3A_597, %swap3A_598] {strides = array<i32>} : memref<80x128xf32, #tpu.memory_space<vmem>>, vector<1x16xf32>,
        %swap3A_600 = vector.shape_cast %swap3A_599 : vector<1x16xf32> to vector<16xf32>
        %swap3A_601 = vector.shape_cast %mul3A_596 : vector<16xf32> to vector<1x16xf32>
        tpu.vector_store %arg11[%swap3A_597, %swap3A_598], %swap3A_601 {strides = array<i32>} : memref<80x128xf32, #tpu.memory_space<vmem>>, vector<1x16xf32>,
        %get3A_602 = arith.index_cast %scan3A_408 : i32 to index
        %get3A_603 = arith.constant 96 : index
        %get3A_604 = tpu.vector_load %arg9[%get3A_602, %get3A_603] {strides = array<i32>} : memref<40x128xi32, #tpu.memory_space<vmem>>, vector<1x16xi32>,
        %get3A_605 = vector.shape_cast %get3A_604 : vector<1x16xi32> to vector<16xi32>
        %shift_left3A_606 = arith.constant 16 : i32
        %shift_left3A_607 = vector.broadcast %shift_left3A_606 : i32 to vector<16xi32>
        %shift_left3A_608 = arith.shli %get3A_605, %shift_left3A_607 : vector<16xi32>
        %bitcast_convert_type3A_609 = tpu.bitcast %shift_left3A_608 : vector<16xi32> -> vector<16xf32>
        %and3A_610 = arith.constant -65536 : i32
        %and3A_611 = vector.broadcast %and3A_610 : i32 to vector<16xi32>
        %and3A_612 = arith.andi %get3A_605, %and3A_611 : vector<16xi32>
        %bitcast_convert_type3A_613 = tpu.bitcast %and3A_612 : vector<16xi32> -> vector<16xf32>
        %get3A_614 = arith.index_cast %add3A_537 : i32 to index
        %get3A_615 = arith.constant 64 : index
        %get3A_616 = tpu.vector_load %arg11[%get3A_614, %get3A_615] {strides = array<i32>} : memref<80x128xf32, #tpu.memory_space<vmem>>, vector<1x16xf32>,
        %get3A_617 = vector.shape_cast %get3A_616 : vector<1x16xf32> to vector<16xf32>
        %mul3A_618 = arith.mulf %get3A_617, %bitcast_convert_type3A_609 : vector<16xf32>
        %swap3A_619 = arith.index_cast %add3A_537 : i32 to index
        %swap3A_620 = arith.constant 64 : index
        %swap3A_621 = tpu.vector_load %arg11[%swap3A_619, %swap3A_620] {strides = array<i32>} : memref<80x128xf32, #tpu.memory_space<vmem>>, vector<1x16xf32>,
        %swap3A_622 = vector.shape_cast %swap3A_621 : vector<1x16xf32> to vector<16xf32>
        %swap3A_623 = vector.shape_cast %mul3A_618 : vector<16xf32> to vector<1x16xf32>
        tpu.vector_store %arg11[%swap3A_619, %swap3A_620], %swap3A_623 {strides = array<i32>} : memref<80x128xf32, #tpu.memory_space<vmem>>, vector<1x16xf32>,
        %get3A_624 = arith.index_cast %add3A_537 : i32 to index
        %get3A_625 = arith.constant 80 : index
        %get3A_626 = tpu.vector_load %arg11[%get3A_624, %get3A_625] {strides = array<i32>} : memref<80x128xf32, #tpu.memory_space<vmem>>, vector<1x16xf32>,
        %get3A_627 = vector.shape_cast %get3A_626 : vector<1x16xf32> to vector<16xf32>
        %mul3A_628 = arith.mulf %get3A_627, %bitcast_convert_type3A_613 : vector<16xf32>
        %swap3A_629 = arith.index_cast %add3A_537 : i32 to index
        %swap3A_630 = arith.constant 80 : index
        %swap3A_631 = tpu.vector_load %arg11[%swap3A_629, %swap3A_630] {strides = array<i32>} : memref<80x128xf32, #tpu.memory_space<vmem>>, vector<1x16xf32>,
        %swap3A_632 = vector.shape_cast %swap3A_631 : vector<1x16xf32> to vector<16xf32>
        %swap3A_633 = vector.shape_cast %mul3A_628 : vector<16xf32> to vector<1x16xf32>
        tpu.vector_store %arg11[%swap3A_629, %swap3A_630], %swap3A_633 {strides = array<i32>} : memref<80x128xf32, #tpu.memory_space<vmem>>, vector<1x16xf32>,
        %get3A_634 = arith.index_cast %scan3A_408 : i32 to index
        %get3A_635 = arith.constant 112 : index
        %get3A_636 = tpu.vector_load %arg9[%get3A_634, %get3A_635] {strides = array<i32>} : memref<40x128xi32, #tpu.memory_space<vmem>>, vector<1x16xi32>,
        %get3A_637 = vector.shape_cast %get3A_636 : vector<1x16xi32> to vector<16xi32>
        %shift_left3A_638 = arith.constant 16 : i32
        %shift_left3A_639 = vector.broadcast %shift_left3A_638 : i32 to vector<16xi32>
        %shift_left3A_640 = arith.shli %get3A_637, %shift_left3A_639 : vector<16xi32>
        %bitcast_convert_type3A_641 = tpu.bitcast %shift_left3A_640 : vector<16xi32> -> vector<16xf32>
        %and3A_642 = arith.constant -65536 : i32
        %and3A_643 = vector.broadcast %and3A_642 : i32 to vector<16xi32>
        %and3A_644 = arith.andi %get3A_637, %and3A_643 : vector<16xi32>
        %bitcast_convert_type3A_645 = tpu.bitcast %and3A_644 : vector<16xi32> -> vector<16xf32>
        %get3A_646 = arith.index_cast %add3A_537 : i32 to index
        %get3A_647 = arith.constant 96 : index
        %get3A_648 = tpu.vector_load %arg11[%get3A_646, %get3A_647] {strides = array<i32>} : memref<80x128xf32, #tpu.memory_space<vmem>>, vector<1x16xf32>,
        %get3A_649 = vector.shape_cast %get3A_648 : vector<1x16xf32> to vector<16xf32>
        %mul3A_650 = arith.mulf %get3A_649, %bitcast_convert_type3A_641 : vector<16xf32>
        %swap3A_651 = arith.index_cast %add3A_537 : i32 to index
        %swap3A_652 = arith.constant 96 : index
        %swap3A_653 = tpu.vector_load %arg11[%swap3A_651, %swap3A_652] {strides = array<i32>} : memref<80x128xf32, #tpu.memory_space<vmem>>, vector<1x16xf32>,
        %swap3A_654 = vector.shape_cast %swap3A_653 : vector<1x16xf32> to vector<16xf32>
        %swap3A_655 = vector.shape_cast %mul3A_650 : vector<16xf32> to vector<1x16xf32>
        tpu.vector_store %arg11[%swap3A_651, %swap3A_652], %swap3A_655 {strides = array<i32>} : memref<80x128xf32, #tpu.memory_space<vmem>>, vector<1x16xf32>,
        %get3A_656 = arith.index_cast %add3A_537 : i32 to index
        %get3A_657 = arith.constant 112 : index
        %get3A_658 = tpu.vector_load %arg11[%get3A_656, %get3A_657] {strides = array<i32>} : memref<80x128xf32, #tpu.memory_space<vmem>>, vector<1x16xf32>,
        %get3A_659 = vector.shape_cast %get3A_658 : vector<1x16xf32> to vector<16xf32>
        %mul3A_660 = arith.mulf %get3A_659, %bitcast_convert_type3A_645 : vector<16xf32>
        %swap3A_661 = arith.index_cast %add3A_537 : i32 to index
        %swap3A_662 = arith.constant 112 : index
        %swap3A_663 = tpu.vector_load %arg11[%swap3A_661, %swap3A_662] {strides = array<i32>} : memref<80x128xf32, #tpu.memory_space<vmem>>, vector<1x16xf32>,
        %swap3A_664 = vector.shape_cast %swap3A_663 : vector<1x16xf32> to vector<16xf32>
        %swap3A_665 = vector.shape_cast %mul3A_660 : vector<16xf32> to vector<1x16xf32>
        tpu.vector_store %arg11[%swap3A_661, %swap3A_662], %swap3A_665 {strides = array<i32>} : memref<80x128xf32, #tpu.memory_space<vmem>>, vector<1x16xf32>,
      }
      %scan3A_227 = arith.constant 40 : i32
      %get3A_228 = arith.constant 1 : i32
      %get3A_229 = arith.index_cast %get3A_228 : i32 to index
      %get3A_230 = arith.constant 0 : index
      %get3A_231 = tpu.vector_load %arg7[%get3A_229, %get3A_230] {strides = array<i32>} : memref<2x80xi32, #tpu.memory_space<vmem>>, vector<1x16xi32>,
      %get3A_232 = vector.shape_cast %get3A_231 : vector<1x16xi32> to vector<16xi32>
      %swap3A_233 = arith.constant 1 : i32
      %swap3A_234 = arith.index_cast %swap3A_233 : i32 to index
      %swap3A_235 = arith.constant 0 : index
      %swap3A_236 = tpu.vector_load %arg13[%swap3A_234, %swap3A_235] {strides = array<i32>} : memref<2x80xi32, #tpu.memory_space<vmem>>, vector<1x16xi32>,
      %swap3A_237 = vector.shape_cast %swap3A_236 : vector<1x16xi32> to vector<16xi32>
      %swap3A_238 = vector.shape_cast %get3A_232 : vector<16xi32> to vector<1x16xi32>
      tpu.vector_store %arg13[%swap3A_234, %swap3A_235], %swap3A_238 {strides = array<i32>} : memref<2x80xi32, #tpu.memory_space<vmem>>, vector<1x16xi32>,
      %get3A_239 = arith.constant 1 : i32
      %get3A_240 = arith.index_cast %get3A_239 : i32 to index
      %get3A_241 = arith.constant 16 : index
      %get3A_242 = tpu.vector_load %arg7[%get3A_240, %get3A_241] {strides = array<i32>} : memref<2x80xi32, #tpu.memory_space<vmem>>, vector<1x16xi32>,
      %get3A_243 = vector.shape_cast %get3A_242 : vector<1x16xi32> to vector<16xi32>
      %swap3A_244 = arith.constant 1 : i32
      %swap3A_245 = arith.index_cast %swap3A_244 : i32 to index
      %swap3A_246 = arith.constant 16 : index
      %swap3A_247 = tpu.vector_load %arg13[%swap3A_245, %swap3A_246] {strides = array<i32>} : memref<2x80xi32, #tpu.memory_space<vmem>>, vector<1x16xi32>,
      %swap3A_248 = vector.shape_cast %swap3A_247 : vector<1x16xi32> to vector<16xi32>
      %swap3A_249 = vector.shape_cast %get3A_243 : vector<16xi32> to vector<1x16xi32>
      tpu.vector_store %arg13[%swap3A_245, %swap3A_246], %swap3A_249 {strides = array<i32>} : memref<2x80xi32, #tpu.memory_space<vmem>>, vector<1x16xi32>,
      %get3A_250 = arith.constant 1 : i32
      %get3A_251 = arith.index_cast %get3A_250 : i32 to index
      %get3A_252 = arith.constant 32 : index
      %get3A_253 = tpu.vector_load %arg7[%get3A_251, %get3A_252] {strides = array<i32>} : memref<2x80xi32, #tpu.memory_space<vmem>>, vector<1x16xi32>,
      %get3A_254 = vector.shape_cast %get3A_253 : vector<1x16xi32> to vector<16xi32>
      %swap3A_255 = arith.constant 1 : i32
      %swap3A_256 = arith.index_cast %swap3A_255 : i32 to index
      %swap3A_257 = arith.constant 32 : index
      %swap3A_258 = tpu.vector_load %arg13[%swap3A_256, %swap3A_257] {strides = array<i32>} : memref<2x80xi32, #tpu.memory_space<vmem>>, vector<1x16xi32>,
      %swap3A_259 = vector.shape_cast %swap3A_258 : vector<1x16xi32> to vector<16xi32>
      %swap3A_260 = vector.shape_cast %get3A_254 : vector<16xi32> to vector<1x16xi32>
      tpu.vector_store %arg13[%swap3A_256, %swap3A_257], %swap3A_260 {strides = array<i32>} : memref<2x80xi32, #tpu.memory_space<vmem>>, vector<1x16xi32>,
      %get3A_261 = arith.constant 1 : i32
      %get3A_262 = arith.index_cast %get3A_261 : i32 to index
      %get3A_263 = arith.constant 48 : index
      %get3A_264 = tpu.vector_load %arg7[%get3A_262, %get3A_263] {strides = array<i32>} : memref<2x80xi32, #tpu.memory_space<vmem>>, vector<1x16xi32>,
      %get3A_265 = vector.shape_cast %get3A_264 : vector<1x16xi32> to vector<16xi32>
      %swap3A_266 = arith.constant 1 : i32
      %swap3A_267 = arith.index_cast %swap3A_266 : i32 to index
      %swap3A_268 = arith.constant 48 : index
      %swap3A_269 = tpu.vector_load %arg13[%swap3A_267, %swap3A_268] {strides = array<i32>} : memref<2x80xi32, #tpu.memory_space<vmem>>, vector<1x16xi32>,
      %swap3A_270 = vector.shape_cast %swap3A_269 : vector<1x16xi32> to vector<16xi32>
      %swap3A_271 = vector.shape_cast %get3A_265 : vector<16xi32> to vector<1x16xi32>
      tpu.vector_store %arg13[%swap3A_267, %swap3A_268], %swap3A_271 {strides = array<i32>} : memref<2x80xi32, #tpu.memory_space<vmem>>, vector<1x16xi32>,
      %get3A_272 = arith.constant 1 : i32
      %get3A_273 = arith.index_cast %get3A_272 : i32 to index
      %get3A_274 = arith.constant 64 : index
      %get3A_275 = tpu.vector_load %arg7[%get3A_273, %get3A_274] {strides = array<i32>} : memref<2x80xi32, #tpu.memory_space<vmem>>, vector<1x16xi32>,
      %get3A_276 = vector.shape_cast %get3A_275 : vector<1x16xi32> to vector<16xi32>
      %swap3A_277 = arith.constant 1 : i32
      %swap3A_278 = arith.index_cast %swap3A_277 : i32 to index
      %swap3A_279 = arith.constant 64 : index
      %swap3A_280 = tpu.vector_load %arg13[%swap3A_278, %swap3A_279] {strides = array<i32>} : memref<2x80xi32, #tpu.memory_space<vmem>>, vector<1x16xi32>,
      %swap3A_281 = vector.shape_cast %swap3A_280 : vector<1x16xi32> to vector<16xi32>
      %swap3A_282 = vector.shape_cast %get3A_276 : vector<16xi32> to vector<1x16xi32>
      tpu.vector_store %arg13[%swap3A_278, %swap3A_279], %swap3A_282 {strides = array<i32>} : memref<2x80xi32, #tpu.memory_space<vmem>>, vector<1x16xi32>,
      %dma_start3A_283 = arith.constant 1 : i32
      %dma_start3A_284 = arith.constant 0 : i32
      %dma_start3A_285 = tpu.memref_slice %arg13[%dma_start3A_283, %dma_start3A_284] : memref<2x80xi32, #tpu.memory_space<vmem>> -> memref<1x80xi32, #tpu.memory_space<vmem>>
      %dma_start3A_286 = tpu.memref_squeeze %dma_start3A_285 : memref<1x80xi32, #tpu.memory_space<vmem>> -> memref<80xi32, #tpu.memory_space<vmem>>
      %dma_start3A_287 = arith.constant 0 : i32
      %dma_start3A_288 = arith.constant 0 : i32
      %dma_start3A_289 = tpu.memref_slice %arg6[%dma_start3A_287, %dma_start3A_288] : memref<10240x128xf32, #tpu.memory_space<vmem_shared>> -> memref<10240x128xf32, #tpu.memory_space<vmem_shared>>
      tpu.enqueue_indirect_dma source(%arg11 : memref<80x128xf32, #tpu.memory_space<vmem>>) target(%dma_start3A_289 : memref<10240x128xf32, #tpu.memory_space<vmem_shared>>) offsets(%dma_start3A_286 : memref<80xi32, #tpu.memory_space<vmem>>) semaphore(%arg21 : memref<!tpu.dma_semaphore, #tpu.memory_space<semaphore_mem>>) {add = true}
      %add3A_290 = arith.constant 2 : i32
      %add3A_291 = arith.addi %add3A_191, %add3A_290 : i32
      %lt3A = arith.constant 125 : i32
      %lt3A_292 = arith.cmpi slt, %add3A_291, %lt3A : i32
      %convert_element_type3A_293 = arith.extui %lt3A_292 : i1 to i32
      %cond3A_294 = arith.constant 0 : i32
      %cond3A_295 = arith.cmpi ne, %convert_element_type3A_293, %cond3A_294 : i32
      scf.if %cond3A_295 {
        %add3A_408 = arith.constant 2 : i32
        %add3A_409 = arith.addi %add3A_191, %add3A_408 : i32
        %dma_start3A_410 = arith.constant 0 : i32
        %dma_start3A_411 = arith.constant 0 : i32
        %dma_start3A_412 = tpu.memref_slice %arg3[%add3A, %add3A_409, %dma_start3A_410, %dma_start3A_411] : memref<32x125x2x80xi32, #tpu.memory_space<hbm>> -> memref<1x1x2x80xi32, #tpu.memory_space<hbm>>
        %dma_start3A_413 = tpu.memref_squeeze %dma_start3A_412 : memref<1x1x2x80xi32, #tpu.memory_space<hbm>> -> memref<2x80xi32, #tpu.memory_space<hbm>>
        %dma_start3A_414 = arith.constant 0 : i32
        %dma_start3A_415 = arith.constant 0 : i32
        %dma_start3A_416 = tpu.memref_slice %arg3[%add3A, %add3A_409, %dma_start3A_414, %dma_start3A_415] : memref<32x125x2x80xi32, #tpu.memory_space<hbm>> -> memref<1x1x2x80xi32, #tpu.memory_space<hbm>>
        %dma_start3A_417 = tpu.memref_squeeze %dma_start3A_416 : memref<1x1x2x80xi32, #tpu.memory_space<hbm>> -> memref<2x80xi32, #tpu.memory_space<hbm>>
        tpu.enqueue_dma source(%dma_start3A_417 : memref<2x80xi32, #tpu.memory_space<hbm>>) target(%arg7 : memref<2x80xi32, #tpu.memory_space<vmem>>) target_semaphore(%arg15 : memref<!tpu.dma_semaphore, #tpu.memory_space<semaphore_mem>>)
        %mul3A_418 = arith.constant 40 : i32
        %mul3A_419 = arith.muli %add3A_409, %mul3A_418 : i32
        %add3A_420 = arith.addi %mul3A_41, %mul3A_419 : i32
        %dma_start3A_421 = arith.constant 0 : i32
        %dma_start3A_422 = tpu.memref_slice %arg2[%add3A_420, %dma_start3A_421] : memref<160000x128xi32, #tpu.memory_space<hbm>> -> memref<40x128xi32, #tpu.memory_space<hbm>>
        %dma_start3A_423 = arith.constant 0 : i32
        %dma_start3A_424 = tpu.memref_slice %arg2[%add3A_420, %dma_start3A_423] : memref<160000x128xi32, #tpu.memory_space<hbm>> -> memref<40x128xi32, #tpu.memory_space<hbm>>
        tpu.enqueue_dma source(%dma_start3A_424 : memref<40x128xi32, #tpu.memory_space<hbm>>) target(%arg9 : memref<40x128xi32, #tpu.memory_space<vmem>>) target_semaphore(%arg17 : memref<!tpu.dma_semaphore, #tpu.memory_space<semaphore_mem>>)
      } else {
      }
      %mul3A_296 = arith.constant 2 : i32
      %mul3A_297 = arith.muli %scan3A_187, %mul3A_296 : i32
      %add3A_298 = arith.constant 1 : i32
      %add3A_299 = arith.addi %mul3A_297, %add3A_298 : i32
      %ge3A_300 = arith.constant 1 : i32
      %ge3A_301 = arith.cmpi sge, %add3A_299, %ge3A_300 : i32
      %convert_element_type3A_302 = arith.extui %ge3A_301 : i1 to i32
      %cond3A_303 = arith.constant 0 : i32
      %cond3A_304 = arith.cmpi ne, %convert_element_type3A_302, %cond3A_303 : i32
      scf.if %cond3A_304 {
        %dma_wait3A_408 = arith.constant 0 : i32
        %dma_wait3A_409 = arith.constant 0 : i32
        %dma_wait3A_410 = tpu.memref_slice %arg4[%dma_wait3A_408, %dma_wait3A_409] : memref<10000x128xf32, #tpu.memory_space<hbm>> -> memref<80x128xf32, #tpu.memory_space<hbm>>
        %dma_wait3A_411 = arith.constant 0 : i32
        %dma_wait3A_412 = arith.constant 0 : i32
        %dma_wait3A_413 = tpu.memref_slice %arg4[%dma_wait3A_411, %dma_wait3A_412] : memref<10000x128xf32, #tpu.memory_space<hbm>> -> memref<80x128xf32, #tpu.memory_space<hbm>>
        tpu.wait_dma2 semaphore(%arg21 : memref<!tpu.dma_semaphore, #tpu.memory_space<semaphore_mem>>) src(%dma_wait3A_413 : memref<80x128xf32, #tpu.memory_space<hbm>>) dst(%arg11 : memref<80x128xf32, #tpu.memory_space<vmem>>)
      } else {
      }
      %dma_wait3A_305 = arith.constant 0 : i32
      %dma_wait3A_306 = arith.constant 0 : i32
      %dma_wait3A_307 = arith.constant 0 : i32
      %dma_wait3A_308 = tpu.memref_slice %arg3[%add3A, %dma_wait3A_305, %dma_wait3A_306, %dma_wait3A_307] : memref<32x125x2x80xi32, #tpu.memory_space<hbm>> -> memref<1x1x2x80xi32, #tpu.memory_space<hbm>>
      %dma_wait3A_309 = tpu.memref_squeeze %dma_wait3A_308 : memref<1x1x2x80xi32, #tpu.memory_space<hbm>> -> memref<2x80xi32, #tpu.memory_space<hbm>>
      %dma_wait3A_310 = arith.constant 0 : i32
      %dma_wait3A_311 = arith.constant 0 : i32
      %dma_wait3A_312 = tpu.memref_slice %arg3[%add3A, %dma_wait3A_305, %dma_wait3A_310, %dma_wait3A_311] : memref<32x125x2x80xi32, #tpu.memory_space<hbm>> -> memref<1x1x2x80xi32, #tpu.memory_space<hbm>>
      %dma_wait3A_313 = tpu.memref_squeeze %dma_wait3A_312 : memref<1x1x2x80xi32, #tpu.memory_space<hbm>> -> memref<2x80xi32, #tpu.memory_space<hbm>>
      tpu.wait_dma2 semaphore(%arg15 : memref<!tpu.dma_semaphore, #tpu.memory_space<semaphore_mem>>) src(%dma_wait3A_313 : memref<2x80xi32, #tpu.memory_space<hbm>>) dst(%arg7 : memref<2x80xi32, #tpu.memory_space<vmem>>)
      %dma_start3A_314 = arith.constant 0 : i32
      %dma_start3A_315 = arith.constant 0 : i32
      %dma_start3A_316 = tpu.memref_slice %arg7[%dma_start3A_314, %dma_start3A_315] : memref<2x80xi32, #tpu.memory_space<vmem>> -> memref<1x80xi32, #tpu.memory_space<vmem>>
      %dma_start3A_317 = tpu.memref_squeeze %dma_start3A_316 : memref<1x80xi32, #tpu.memory_space<vmem>> -> memref<80xi32, #tpu.memory_space<vmem>>
      %dma_start3A_318 = arith.constant 0 : i32
      %dma_start3A_319 = arith.constant 0 : i32
      %dma_start3A_320 = tpu.memref_slice %arg4[%dma_start3A_318, %dma_start3A_319] : memref<10000x128xf32, #tpu.memory_space<hbm>> -> memref<10000x128xf32, #tpu.memory_space<hbm>>
      tpu.enqueue_indirect_dma source(%dma_start3A_320 : memref<10000x128xf32, #tpu.memory_space<hbm>>) target(%arg11 : memref<80x128xf32, #tpu.memory_space<vmem>>) offsets(%dma_start3A_317 : memref<80xi32, #tpu.memory_space<vmem>>) semaphore(%arg19 : memref<!tpu.dma_semaphore, #tpu.memory_space<semaphore_mem>>)
      %dma_wait3A_321 = arith.constant 0 : i32
      %dma_wait3A_322 = arith.constant 0 : i32
      %dma_wait3A_323 = tpu.memref_slice %arg2[%dma_wait3A_321, %dma_wait3A_322] : memref<160000x128xi32, #tpu.memory_space<hbm>> -> memref<40x128xi32, #tpu.memory_space<hbm>>
      %dma_wait3A_324 = arith.constant 0 : i32
      %dma_wait3A_325 = arith.constant 0 : i32
      %dma_wait3A_326 = tpu.memref_slice %arg2[%dma_wait3A_324, %dma_wait3A_325] : memref<160000x128xi32, #tpu.memory_space<hbm>> -> memref<40x128xi32, #tpu.memory_space<hbm>>
      tpu.wait_dma2 semaphore(%arg18 : memref<!tpu.dma_semaphore, #tpu.memory_space<semaphore_mem>>) src(%dma_wait3A_326 : memref<40x128xi32, #tpu.memory_space<hbm>>) dst(%arg10 : memref<40x128xi32, #tpu.memory_space<vmem>>)
      %dma_wait3A_327 = arith.constant 0 : i32
      %dma_wait3A_328 = arith.constant 0 : i32
      %dma_wait3A_329 = tpu.memref_slice %arg4[%dma_wait3A_327, %dma_wait3A_328] : memref<10000x128xf32, #tpu.memory_space<hbm>> -> memref<80x128xf32, #tpu.memory_space<hbm>>
      %dma_wait3A_330 = arith.constant 0 : i32
      %dma_wait3A_331 = arith.constant 0 : i32
      %dma_wait3A_332 = tpu.memref_slice %arg4[%dma_wait3A_330, %dma_wait3A_331] : memref<10000x128xf32, #tpu.memory_space<hbm>> -> memref<80x128xf32, #tpu.memory_space<hbm>>
      tpu.wait_dma2 semaphore(%arg20 : memref<!tpu.dma_semaphore, #tpu.memory_space<semaphore_mem>>) src(%dma_wait3A_332 : memref<80x128xf32, #tpu.memory_space<hbm>>) dst(%arg12 : memref<80x128xf32, #tpu.memory_space<vmem>>)
      %scan3A_333 = arith.constant 0 : i32
      %scan3A_334 = arith.constant 0 : i32
      %scan3A_335 = arith.constant 40 : i32
      %scan3A_336 = arith.addi %scan3A_334, %scan3A_335 : i32
      %scan3A_337 = arith.constant 1 : i32
      scf.for %scan3A_408 = %scan3A_334 to %scan3A_336 step %scan3A_337  : i32 {
        %add3A_409 = arith.constant 0 : i32
        %add3A_410 = arith.addi %scan3A_408, %add3A_409 : i32
        %get3A_411 = arith.index_cast %scan3A_408 : i32 to index
        %get3A_412 = arith.constant 0 : index
        %get3A_413 = tpu.vector_load %arg10[%get3A_411, %get3A_412] {strides = array<i32>} : memref<40x128xi32, #tpu.memory_space<vmem>>, vector<1x16xi32>,
        %get3A_414 = vector.shape_cast %get3A_413 : vector<1x16xi32> to vector<16xi32>
        %shift_left3A = arith.constant 16 : i32
        %shift_left3A_415 = vector.broadcast %shift_left3A : i32 to vector<16xi32>
        %shift_left3A_416 = arith.shli %get3A_414, %shift_left3A_415 : vector<16xi32>
        %bitcast_convert_type3A = tpu.bitcast %shift_left3A_416 : vector<16xi32> -> vector<16xf32>
        %and3A = arith.constant -65536 : i32
        %and3A_417 = vector.broadcast %and3A : i32 to vector<16xi32>
        %and3A_418 = arith.andi %get3A_414, %and3A_417 : vector<16xi32>
        %bitcast_convert_type3A_419 = tpu.bitcast %and3A_418 : vector<16xi32> -> vector<16xf32>
        %get3A_420 = arith.index_cast %add3A_410 : i32 to index
        %get3A_421 = arith.constant 0 : index
        %get3A_422 = tpu.vector_load %arg12[%get3A_420, %get3A_421] {strides = array<i32>} : memref<80x128xf32, #tpu.memory_space<vmem>>, vector<1x16xf32>,
        %get3A_423 = vector.shape_cast %get3A_422 : vector<1x16xf32> to vector<16xf32>
        %mul3A_424 = arith.mulf %get3A_423, %bitcast_convert_type3A : vector<16xf32>
        %swap3A_425 = arith.index_cast %add3A_410 : i32 to index
        %swap3A_426 = arith.constant 0 : index
        %swap3A_427 = tpu.vector_load %arg12[%swap3A_425, %swap3A_426] {strides = array<i32>} : memref<80x128xf32, #tpu.memory_space<vmem>>, vector<1x16xf32>,
        %swap3A_428 = vector.shape_cast %swap3A_427 : vector<1x16xf32> to vector<16xf32>
        %swap3A_429 = vector.shape_cast %mul3A_424 : vector<16xf32> to vector<1x16xf32>
        tpu.vector_store %arg12[%swap3A_425, %swap3A_426], %swap3A_429 {strides = array<i32>} : memref<80x128xf32, #tpu.memory_space<vmem>>, vector<1x16xf32>,
        %get3A_430 = arith.index_cast %add3A_410 : i32 to index
        %get3A_431 = arith.constant 16 : index
        %get3A_432 = tpu.vector_load %arg12[%get3A_430, %get3A_431] {strides = array<i32>} : memref<80x128xf32, #tpu.memory_space<vmem>>, vector<1x16xf32>,
        %get3A_433 = vector.shape_cast %get3A_432 : vector<1x16xf32> to vector<16xf32>
        %mul3A_434 = arith.mulf %get3A_433, %bitcast_convert_type3A_419 : vector<16xf32>
        %swap3A_435 = arith.index_cast %add3A_410 : i32 to index
        %swap3A_436 = arith.constant 16 : index
        %swap3A_437 = tpu.vector_load %arg12[%swap3A_435, %swap3A_436] {strides = array<i32>} : memref<80x128xf32, #tpu.memory_space<vmem>>, vector<1x16xf32>,
        %swap3A_438 = vector.shape_cast %swap3A_437 : vector<1x16xf32> to vector<16xf32>
        %swap3A_439 = vector.shape_cast %mul3A_434 : vector<16xf32> to vector<1x16xf32>
        tpu.vector_store %arg12[%swap3A_435, %swap3A_436], %swap3A_439 {strides = array<i32>} : memref<80x128xf32, #tpu.memory_space<vmem>>, vector<1x16xf32>,
        %get3A_440 = arith.index_cast %scan3A_408 : i32 to index
        %get3A_441 = arith.constant 16 : index
        %get3A_442 = tpu.vector_load %arg10[%get3A_440, %get3A_441] {strides = array<i32>} : memref<40x128xi32, #tpu.memory_space<vmem>>, vector<1x16xi32>,
        %get3A_443 = vector.shape_cast %get3A_442 : vector<1x16xi32> to vector<16xi32>
        %shift_left3A_444 = arith.constant 16 : i32
        %shift_left3A_445 = vector.broadcast %shift_left3A_444 : i32 to vector<16xi32>
        %shift_left3A_446 = arith.shli %get3A_443, %shift_left3A_445 : vector<16xi32>
        %bitcast_convert_type3A_447 = tpu.bitcast %shift_left3A_446 : vector<16xi32> -> vector<16xf32>
        %and3A_448 = arith.constant -65536 : i32
        %and3A_449 = vector.broadcast %and3A_448 : i32 to vector<16xi32>
        %and3A_450 = arith.andi %get3A_443, %and3A_449 : vector<16xi32>
        %bitcast_convert_type3A_451 = tpu.bitcast %and3A_450 : vector<16xi32> -> vector<16xf32>
        %get3A_452 = arith.index_cast %add3A_410 : i32 to index
        %get3A_453 = arith.constant 32 : index
        %get3A_454 = tpu.vector_load %arg12[%get3A_452, %get3A_453] {strides = array<i32>} : memref<80x128xf32, #tpu.memory_space<vmem>>, vector<1x16xf32>,
        %get3A_455 = vector.shape_cast %get3A_454 : vector<1x16xf32> to vector<16xf32>
        %mul3A_456 = arith.mulf %get3A_455, %bitcast_convert_type3A_447 : vector<16xf32>
        %swap3A_457 = arith.index_cast %add3A_410 : i32 to index
        %swap3A_458 = arith.constant 32 : index
        %swap3A_459 = tpu.vector_load %arg12[%swap3A_457, %swap3A_458] {strides = array<i32>} : memref<80x128xf32, #tpu.memory_space<vmem>>, vector<1x16xf32>,
        %swap3A_460 = vector.shape_cast %swap3A_459 : vector<1x16xf32> to vector<16xf32>
        %swap3A_461 = vector.shape_cast %mul3A_456 : vector<16xf32> to vector<1x16xf32>
        tpu.vector_store %arg12[%swap3A_457, %swap3A_458], %swap3A_461 {strides = array<i32>} : memref<80x128xf32, #tpu.memory_space<vmem>>, vector<1x16xf32>,
        %get3A_462 = arith.index_cast %add3A_410 : i32 to index
        %get3A_463 = arith.constant 48 : index
        %get3A_464 = tpu.vector_load %arg12[%get3A_462, %get3A_463] {strides = array<i32>} : memref<80x128xf32, #tpu.memory_space<vmem>>, vector<1x16xf32>,
        %get3A_465 = vector.shape_cast %get3A_464 : vector<1x16xf32> to vector<16xf32>
        %mul3A_466 = arith.mulf %get3A_465, %bitcast_convert_type3A_451 : vector<16xf32>
        %swap3A_467 = arith.index_cast %add3A_410 : i32 to index
        %swap3A_468 = arith.constant 48 : index
        %swap3A_469 = tpu.vector_load %arg12[%swap3A_467, %swap3A_468] {strides = array<i32>} : memref<80x128xf32, #tpu.memory_space<vmem>>, vector<1x16xf32>,
        %swap3A_470 = vector.shape_cast %swap3A_469 : vector<1x16xf32> to vector<16xf32>
        %swap3A_471 = vector.shape_cast %mul3A_466 : vector<16xf32> to vector<1x16xf32>
        tpu.vector_store %arg12[%swap3A_467, %swap3A_468], %swap3A_471 {strides = array<i32>} : memref<80x128xf32, #tpu.memory_space<vmem>>, vector<1x16xf32>,
        %get3A_472 = arith.index_cast %scan3A_408 : i32 to index
        %get3A_473 = arith.constant 32 : index
        %get3A_474 = tpu.vector_load %arg10[%get3A_472, %get3A_473] {strides = array<i32>} : memref<40x128xi32, #tpu.memory_space<vmem>>, vector<1x16xi32>,
        %get3A_475 = vector.shape_cast %get3A_474 : vector<1x16xi32> to vector<16xi32>
        %shift_left3A_476 = arith.constant 16 : i32
        %shift_left3A_477 = vector.broadcast %shift_left3A_476 : i32 to vector<16xi32>
        %shift_left3A_478 = arith.shli %get3A_475, %shift_left3A_477 : vector<16xi32>
        %bitcast_convert_type3A_479 = tpu.bitcast %shift_left3A_478 : vector<16xi32> -> vector<16xf32>
        %and3A_480 = arith.constant -65536 : i32
        %and3A_481 = vector.broadcast %and3A_480 : i32 to vector<16xi32>
        %and3A_482 = arith.andi %get3A_475, %and3A_481 : vector<16xi32>
        %bitcast_convert_type3A_483 = tpu.bitcast %and3A_482 : vector<16xi32> -> vector<16xf32>
        %get3A_484 = arith.index_cast %add3A_410 : i32 to index
        %get3A_485 = arith.constant 64 : index
        %get3A_486 = tpu.vector_load %arg12[%get3A_484, %get3A_485] {strides = array<i32>} : memref<80x128xf32, #tpu.memory_space<vmem>>, vector<1x16xf32>,
        %get3A_487 = vector.shape_cast %get3A_486 : vector<1x16xf32> to vector<16xf32>
        %mul3A_488 = arith.mulf %get3A_487, %bitcast_convert_type3A_479 : vector<16xf32>
        %swap3A_489 = arith.index_cast %add3A_410 : i32 to index
        %swap3A_490 = arith.constant 64 : index
        %swap3A_491 = tpu.vector_load %arg12[%swap3A_489, %swap3A_490] {strides = array<i32>} : memref<80x128xf32, #tpu.memory_space<vmem>>, vector<1x16xf32>,
        %swap3A_492 = vector.shape_cast %swap3A_491 : vector<1x16xf32> to vector<16xf32>
        %swap3A_493 = vector.shape_cast %mul3A_488 : vector<16xf32> to vector<1x16xf32>
        tpu.vector_store %arg12[%swap3A_489, %swap3A_490], %swap3A_493 {strides = array<i32>} : memref<80x128xf32, #tpu.memory_space<vmem>>, vector<1x16xf32>,
        %get3A_494 = arith.index_cast %add3A_410 : i32 to index
        %get3A_495 = arith.constant 80 : index
        %get3A_496 = tpu.vector_load %arg12[%get3A_494, %get3A_495] {strides = array<i32>} : memref<80x128xf32, #tpu.memory_space<vmem>>, vector<1x16xf32>,
        %get3A_497 = vector.shape_cast %get3A_496 : vector<1x16xf32> to vector<16xf32>
        %mul3A_498 = arith.mulf %get3A_497, %bitcast_convert_type3A_483 : vector<16xf32>
        %swap3A_499 = arith.index_cast %add3A_410 : i32 to index
        %swap3A_500 = arith.constant 80 : index
        %swap3A_501 = tpu.vector_load %arg12[%swap3A_499, %swap3A_500] {strides = array<i32>} : memref<80x128xf32, #tpu.memory_space<vmem>>, vector<1x16xf32>,
        %swap3A_502 = vector.shape_cast %swap3A_501 : vector<1x16xf32> to vector<16xf32>
        %swap3A_503 = vector.shape_cast %mul3A_498 : vector<16xf32> to vector<1x16xf32>
        tpu.vector_store %arg12[%swap3A_499, %swap3A_500], %swap3A_503 {strides = array<i32>} : memref<80x128xf32, #tpu.memory_space<vmem>>, vector<1x16xf32>,
        %get3A_504 = arith.index_cast %scan3A_408 : i32 to index
        %get3A_505 = arith.constant 48 : index
        %get3A_506 = tpu.vector_load %arg10[%get3A_504, %get3A_505] {strides = array<i32>} : memref<40x128xi32, #tpu.memory_space<vmem>>, vector<1x16xi32>,
        %get3A_507 = vector.shape_cast %get3A_506 : vector<1x16xi32> to vector<16xi32>
        %shift_left3A_508 = arith.constant 16 : i32
        %shift_left3A_509 = vector.broadcast %shift_left3A_508 : i32 to vector<16xi32>
        %shift_left3A_510 = arith.shli %get3A_507, %shift_left3A_509 : vector<16xi32>
        %bitcast_convert_type3A_511 = tpu.bitcast %shift_left3A_510 : vector<16xi32> -> vector<16xf32>
        %and3A_512 = arith.constant -65536 : i32
        %and3A_513 = vector.broadcast %and3A_512 : i32 to vector<16xi32>
        %and3A_514 = arith.andi %get3A_507, %and3A_513 : vector<16xi32>
        %bitcast_convert_type3A_515 = tpu.bitcast %and3A_514 : vector<16xi32> -> vector<16xf32>
        %get3A_516 = arith.index_cast %add3A_410 : i32 to index
        %get3A_517 = arith.constant 96 : index
        %get3A_518 = tpu.vector_load %arg12[%get3A_516, %get3A_517] {strides = array<i32>} : memref<80x128xf32, #tpu.memory_space<vmem>>, vector<1x16xf32>,
        %get3A_519 = vector.shape_cast %get3A_518 : vector<1x16xf32> to vector<16xf32>
        %mul3A_520 = arith.mulf %get3A_519, %bitcast_convert_type3A_511 : vector<16xf32>
        %swap3A_521 = arith.index_cast %add3A_410 : i32 to index
        %swap3A_522 = arith.constant 96 : index
        %swap3A_523 = tpu.vector_load %arg12[%swap3A_521, %swap3A_522] {strides = array<i32>} : memref<80x128xf32, #tpu.memory_space<vmem>>, vector<1x16xf32>,
        %swap3A_524 = vector.shape_cast %swap3A_523 : vector<1x16xf32> to vector<16xf32>
        %swap3A_525 = vector.shape_cast %mul3A_520 : vector<16xf32> to vector<1x16xf32>
        tpu.vector_store %arg12[%swap3A_521, %swap3A_522], %swap3A_525 {strides = array<i32>} : memref<80x128xf32, #tpu.memory_space<vmem>>, vector<1x16xf32>,
        %get3A_526 = arith.index_cast %add3A_410 : i32 to index
        %get3A_527 = arith.constant 112 : index
        %get3A_528 = tpu.vector_load %arg12[%get3A_526, %get3A_527] {strides = array<i32>} : memref<80x128xf32, #tpu.memory_space<vmem>>, vector<1x16xf32>,
        %get3A_529 = vector.shape_cast %get3A_528 : vector<1x16xf32> to vector<16xf32>
        %mul3A_530 = arith.mulf %get3A_529, %bitcast_convert_type3A_515 : vector<16xf32>
        %swap3A_531 = arith.index_cast %add3A_410 : i32 to index
        %swap3A_532 = arith.constant 112 : index
        %swap3A_533 = tpu.vector_load %arg12[%swap3A_531, %swap3A_532] {strides = array<i32>} : memref<80x128xf32, #tpu.memory_space<vmem>>, vector<1x16xf32>,
        %swap3A_534 = vector.shape_cast %swap3A_533 : vector<1x16xf32> to vector<16xf32>
        %swap3A_535 = vector.shape_cast %mul3A_530 : vector<16xf32> to vector<1x16xf32>
        tpu.vector_store %arg12[%swap3A_531, %swap3A_532], %swap3A_535 {strides = array<i32>} : memref<80x128xf32, #tpu.memory_space<vmem>>, vector<1x16xf32>,
        %add3A_536 = arith.constant 40 : i32
        %add3A_537 = arith.addi %scan3A_408, %add3A_536 : i32
        %get3A_538 = arith.index_cast %scan3A_408 : i32 to index
        %get3A_539 = arith.constant 64 : index
        %get3A_540 = tpu.vector_load %arg10[%get3A_538, %get3A_539] {strides = array<i32>} : memref<40x128xi32, #tpu.memory_space<vmem>>, vector<1x16xi32>,
        %get3A_541 = vector.shape_cast %get3A_540 : vector<1x16xi32> to vector<16xi32>
        %shift_left3A_542 = arith.constant 16 : i32
        %shift_left3A_543 = vector.broadcast %shift_left3A_542 : i32 to vector<16xi32>
        %shift_left3A_544 = arith.shli %get3A_541, %shift_left3A_543 : vector<16xi32>
        %bitcast_convert_type3A_545 = tpu.bitcast %shift_left3A_544 : vector<16xi32> -> vector<16xf32>
        %and3A_546 = arith.constant -65536 : i32
        %and3A_547 = vector.broadcast %and3A_546 : i32 to vector<16xi32>
        %and3A_548 = arith.andi %get3A_541, %and3A_547 : vector<16xi32>
        %bitcast_convert_type3A_549 = tpu.bitcast %and3A_548 : vector<16xi32> -> vector<16xf32>
        %get3A_550 = arith.index_cast %add3A_537 : i32 to index
        %get3A_551 = arith.constant 0 : index
        %get3A_552 = tpu.vector_load %arg12[%get3A_550, %get3A_551] {strides = array<i32>} : memref<80x128xf32, #tpu.memory_space<vmem>>, vector<1x16xf32>,
        %get3A_553 = vector.shape_cast %get3A_552 : vector<1x16xf32> to vector<16xf32>
        %mul3A_554 = arith.mulf %get3A_553, %bitcast_convert_type3A_545 : vector<16xf32>
        %swap3A_555 = arith.index_cast %add3A_537 : i32 to index
        %swap3A_556 = arith.constant 0 : index
        %swap3A_557 = tpu.vector_load %arg12[%swap3A_555, %swap3A_556] {strides = array<i32>} : memref<80x128xf32, #tpu.memory_space<vmem>>, vector<1x16xf32>,
        %swap3A_558 = vector.shape_cast %swap3A_557 : vector<1x16xf32> to vector<16xf32>
        %swap3A_559 = vector.shape_cast %mul3A_554 : vector<16xf32> to vector<1x16xf32>
        tpu.vector_store %arg12[%swap3A_555, %swap3A_556], %swap3A_559 {strides = array<i32>} : memref<80x128xf32, #tpu.memory_space<vmem>>, vector<1x16xf32>,
        %get3A_560 = arith.index_cast %add3A_537 : i32 to index
        %get3A_561 = arith.constant 16 : index
        %get3A_562 = tpu.vector_load %arg12[%get3A_560, %get3A_561] {strides = array<i32>} : memref<80x128xf32, #tpu.memory_space<vmem>>, vector<1x16xf32>,
        %get3A_563 = vector.shape_cast %get3A_562 : vector<1x16xf32> to vector<16xf32>
        %mul3A_564 = arith.mulf %get3A_563, %bitcast_convert_type3A_549 : vector<16xf32>
        %swap3A_565 = arith.index_cast %add3A_537 : i32 to index
        %swap3A_566 = arith.constant 16 : index
        %swap3A_567 = tpu.vector_load %arg12[%swap3A_565, %swap3A_566] {strides = array<i32>} : memref<80x128xf32, #tpu.memory_space<vmem>>, vector<1x16xf32>,
        %swap3A_568 = vector.shape_cast %swap3A_567 : vector<1x16xf32> to vector<16xf32>
        %swap3A_569 = vector.shape_cast %mul3A_564 : vector<16xf32> to vector<1x16xf32>
        tpu.vector_store %arg12[%swap3A_565, %swap3A_566], %swap3A_569 {strides = array<i32>} : memref<80x128xf32, #tpu.memory_space<vmem>>, vector<1x16xf32>,
        %get3A_570 = arith.index_cast %scan3A_408 : i32 to index
        %get3A_571 = arith.constant 80 : index
        %get3A_572 = tpu.vector_load %arg10[%get3A_570, %get3A_571] {strides = array<i32>} : memref<40x128xi32, #tpu.memory_space<vmem>>, vector<1x16xi32>,
        %get3A_573 = vector.shape_cast %get3A_572 : vector<1x16xi32> to vector<16xi32>
        %shift_left3A_574 = arith.constant 16 : i32
        %shift_left3A_575 = vector.broadcast %shift_left3A_574 : i32 to vector<16xi32>
        %shift_left3A_576 = arith.shli %get3A_573, %shift_left3A_575 : vector<16xi32>
        %bitcast_convert_type3A_577 = tpu.bitcast %shift_left3A_576 : vector<16xi32> -> vector<16xf32>
        %and3A_578 = arith.constant -65536 : i32
        %and3A_579 = vector.broadcast %and3A_578 : i32 to vector<16xi32>
        %and3A_580 = arith.andi %get3A_573, %and3A_579 : vector<16xi32>
        %bitcast_convert_type3A_581 = tpu.bitcast %and3A_580 : vector<16xi32> -> vector<16xf32>
        %get3A_582 = arith.index_cast %add3A_537 : i32 to index
        %get3A_583 = arith.constant 32 : index
        %get3A_584 = tpu.vector_load %arg12[%get3A_582, %get3A_583] {strides = array<i32>} : memref<80x128xf32, #tpu.memory_space<vmem>>, vector<1x16xf32>,
        %get3A_585 = vector.shape_cast %get3A_584 : vector<1x16xf32> to vector<16xf32>
        %mul3A_586 = arith.mulf %get3A_585, %bitcast_convert_type3A_577 : vector<16xf32>
        %swap3A_587 = arith.index_cast %add3A_537 : i32 to index
        %swap3A_588 = arith.constant 32 : index
        %swap3A_589 = tpu.vector_load %arg12[%swap3A_587, %swap3A_588] {strides = array<i32>} : memref<80x128xf32, #tpu.memory_space<vmem>>, vector<1x16xf32>,
        %swap3A_590 = vector.shape_cast %swap3A_589 : vector<1x16xf32> to vector<16xf32>
        %swap3A_591 = vector.shape_cast %mul3A_586 : vector<16xf32> to vector<1x16xf32>
        tpu.vector_store %arg12[%swap3A_587, %swap3A_588], %swap3A_591 {strides = array<i32>} : memref<80x128xf32, #tpu.memory_space<vmem>>, vector<1x16xf32>,
        %get3A_592 = arith.index_cast %add3A_537 : i32 to index
        %get3A_593 = arith.constant 48 : index
        %get3A_594 = tpu.vector_load %arg12[%get3A_592, %get3A_593] {strides = array<i32>} : memref<80x128xf32, #tpu.memory_space<vmem>>, vector<1x16xf32>,
        %get3A_595 = vector.shape_cast %get3A_594 : vector<1x16xf32> to vector<16xf32>
        %mul3A_596 = arith.mulf %get3A_595, %bitcast_convert_type3A_581 : vector<16xf32>
        %swap3A_597 = arith.index_cast %add3A_537 : i32 to index
        %swap3A_598 = arith.constant 48 : index
        %swap3A_599 = tpu.vector_load %arg12[%swap3A_597, %swap3A_598] {strides = array<i32>} : memref<80x128xf32, #tpu.memory_space<vmem>>, vector<1x16xf32>,
        %swap3A_600 = vector.shape_cast %swap3A_599 : vector<1x16xf32> to vector<16xf32>
        %swap3A_601 = vector.shape_cast %mul3A_596 : vector<16xf32> to vector<1x16xf32>
        tpu.vector_store %arg12[%swap3A_597, %swap3A_598], %swap3A_601 {strides = array<i32>} : memref<80x128xf32, #tpu.memory_space<vmem>>, vector<1x16xf32>,
        %get3A_602 = arith.index_cast %scan3A_408 : i32 to index
        %get3A_603 = arith.constant 96 : index
        %get3A_604 = tpu.vector_load %arg10[%get3A_602, %get3A_603] {strides = array<i32>} : memref<40x128xi32, #tpu.memory_space<vmem>>, vector<1x16xi32>,
        %get3A_605 = vector.shape_cast %get3A_604 : vector<1x16xi32> to vector<16xi32>
        %shift_left3A_606 = arith.constant 16 : i32
        %shift_left3A_607 = vector.broadcast %shift_left3A_606 : i32 to vector<16xi32>
        %shift_left3A_608 = arith.shli %get3A_605, %shift_left3A_607 : vector<16xi32>
        %bitcast_convert_type3A_609 = tpu.bitcast %shift_left3A_608 : vector<16xi32> -> vector<16xf32>
        %and3A_610 = arith.constant -65536 : i32
        %and3A_611 = vector.broadcast %and3A_610 : i32 to vector<16xi32>
        %and3A_612 = arith.andi %get3A_605, %and3A_611 : vector<16xi32>
        %bitcast_convert_type3A_613 = tpu.bitcast %and3A_612 : vector<16xi32> -> vector<16xf32>
        %get3A_614 = arith.index_cast %add3A_537 : i32 to index
        %get3A_615 = arith.constant 64 : index
        %get3A_616 = tpu.vector_load %arg12[%get3A_614, %get3A_615] {strides = array<i32>} : memref<80x128xf32, #tpu.memory_space<vmem>>, vector<1x16xf32>,
        %get3A_617 = vector.shape_cast %get3A_616 : vector<1x16xf32> to vector<16xf32>
        %mul3A_618 = arith.mulf %get3A_617, %bitcast_convert_type3A_609 : vector<16xf32>
        %swap3A_619 = arith.index_cast %add3A_537 : i32 to index
        %swap3A_620 = arith.constant 64 : index
        %swap3A_621 = tpu.vector_load %arg12[%swap3A_619, %swap3A_620] {strides = array<i32>} : memref<80x128xf32, #tpu.memory_space<vmem>>, vector<1x16xf32>,
        %swap3A_622 = vector.shape_cast %swap3A_621 : vector<1x16xf32> to vector<16xf32>
        %swap3A_623 = vector.shape_cast %mul3A_618 : vector<16xf32> to vector<1x16xf32>
        tpu.vector_store %arg12[%swap3A_619, %swap3A_620], %swap3A_623 {strides = array<i32>} : memref<80x128xf32, #tpu.memory_space<vmem>>, vector<1x16xf32>,
        %get3A_624 = arith.index_cast %add3A_537 : i32 to index
        %get3A_625 = arith.constant 80 : index
        %get3A_626 = tpu.vector_load %arg12[%get3A_624, %get3A_625] {strides = array<i32>} : memref<80x128xf32, #tpu.memory_space<vmem>>, vector<1x16xf32>,
        %get3A_627 = vector.shape_cast %get3A_626 : vector<1x16xf32> to vector<16xf32>
        %mul3A_628 = arith.mulf %get3A_627, %bitcast_convert_type3A_613 : vector<16xf32>
        %swap3A_629 = arith.index_cast %add3A_537 : i32 to index
        %swap3A_630 = arith.constant 80 : index
        %swap3A_631 = tpu.vector_load %arg12[%swap3A_629, %swap3A_630] {strides = array<i32>} : memref<80x128xf32, #tpu.memory_space<vmem>>, vector<1x16xf32>,
        %swap3A_632 = vector.shape_cast %swap3A_631 : vector<1x16xf32> to vector<16xf32>
        %swap3A_633 = vector.shape_cast %mul3A_628 : vector<16xf32> to vector<1x16xf32>
        tpu.vector_store %arg12[%swap3A_629, %swap3A_630], %swap3A_633 {strides = array<i32>} : memref<80x128xf32, #tpu.memory_space<vmem>>, vector<1x16xf32>,
        %get3A_634 = arith.index_cast %scan3A_408 : i32 to index
        %get3A_635 = arith.constant 112 : index
        %get3A_636 = tpu.vector_load %arg10[%get3A_634, %get3A_635] {strides = array<i32>} : memref<40x128xi32, #tpu.memory_space<vmem>>, vector<1x16xi32>,
        %get3A_637 = vector.shape_cast %get3A_636 : vector<1x16xi32> to vector<16xi32>
        %shift_left3A_638 = arith.constant 16 : i32
        %shift_left3A_639 = vector.broadcast %shift_left3A_638 : i32 to vector<16xi32>
        %shift_left3A_640 = arith.shli %get3A_637, %shift_left3A_639 : vector<16xi32>
        %bitcast_convert_type3A_641 = tpu.bitcast %shift_left3A_640 : vector<16xi32> -> vector<16xf32>
        %and3A_642 = arith.constant -65536 : i32
        %and3A_643 = vector.broadcast %and3A_642 : i32 to vector<16xi32>
        %and3A_644 = arith.andi %get3A_637, %and3A_643 : vector<16xi32>
        %bitcast_convert_type3A_645 = tpu.bitcast %and3A_644 : vector<16xi32> -> vector<16xf32>
        %get3A_646 = arith.index_cast %add3A_537 : i32 to index
        %get3A_647 = arith.constant 96 : index
        %get3A_648 = tpu.vector_load %arg12[%get3A_646, %get3A_647] {strides = array<i32>} : memref<80x128xf32, #tpu.memory_space<vmem>>, vector<1x16xf32>,
        %get3A_649 = vector.shape_cast %get3A_648 : vector<1x16xf32> to vector<16xf32>
        %mul3A_650 = arith.mulf %get3A_649, %bitcast_convert_type3A_641 : vector<16xf32>
        %swap3A_651 = arith.index_cast %add3A_537 : i32 to index
        %swap3A_652 = arith.constant 96 : index
        %swap3A_653 = tpu.vector_load %arg12[%swap3A_651, %swap3A_652] {strides = array<i32>} : memref<80x128xf32, #tpu.memory_space<vmem>>, vector<1x16xf32>,
        %swap3A_654 = vector.shape_cast %swap3A_653 : vector<1x16xf32> to vector<16xf32>
        %swap3A_655 = vector.shape_cast %mul3A_650 : vector<16xf32> to vector<1x16xf32>
        tpu.vector_store %arg12[%swap3A_651, %swap3A_652], %swap3A_655 {strides = array<i32>} : memref<80x128xf32, #tpu.memory_space<vmem>>, vector<1x16xf32>,
        %get3A_656 = arith.index_cast %add3A_537 : i32 to index
        %get3A_657 = arith.constant 112 : index
        %get3A_658 = tpu.vector_load %arg12[%get3A_656, %get3A_657] {strides = array<i32>} : memref<80x128xf32, #tpu.memory_space<vmem>>, vector<1x16xf32>,
        %get3A_659 = vector.shape_cast %get3A_658 : vector<1x16xf32> to vector<16xf32>
        %mul3A_660 = arith.mulf %get3A_659, %bitcast_convert_type3A_645 : vector<16xf32>
        %swap3A_661 = arith.index_cast %add3A_537 : i32 to index
        %swap3A_662 = arith.constant 112 : index
        %swap3A_663 = tpu.vector_load %arg12[%swap3A_661, %swap3A_662] {strides = array<i32>} : memref<80x128xf32, #tpu.memory_space<vmem>>, vector<1x16xf32>,
        %swap3A_664 = vector.shape_cast %swap3A_663 : vector<1x16xf32> to vector<16xf32>
        %swap3A_665 = vector.shape_cast %mul3A_660 : vector<16xf32> to vector<1x16xf32>
        tpu.vector_store %arg12[%swap3A_661, %swap3A_662], %swap3A_665 {strides = array<i32>} : memref<80x128xf32, #tpu.memory_space<vmem>>, vector<1x16xf32>,
      }
      %scan3A_338 = arith.constant 40 : i32
      %get3A_339 = arith.constant 1 : i32
      %get3A_340 = arith.index_cast %get3A_339 : i32 to index
      %get3A_341 = arith.constant 0 : index
      %get3A_342 = tpu.vector_load %arg8[%get3A_340, %get3A_341] {strides = array<i32>} : memref<2x80xi32, #tpu.memory_space<vmem>>, vector<1x16xi32>,
      %get3A_343 = vector.shape_cast %get3A_342 : vector<1x16xi32> to vector<16xi32>
      %swap3A_344 = arith.constant 1 : i32
      %swap3A_345 = arith.index_cast %swap3A_344 : i32 to index
      %swap3A_346 = arith.constant 0 : index
      %swap3A_347 = tpu.vector_load %arg14[%swap3A_345, %swap3A_346] {strides = array<i32>} : memref<2x80xi32, #tpu.memory_space<vmem>>, vector<1x16xi32>,
      %swap3A_348 = vector.shape_cast %swap3A_347 : vector<1x16xi32> to vector<16xi32>
      %swap3A_349 = vector.shape_cast %get3A_343 : vector<16xi32> to vector<1x16xi32>
      tpu.vector_store %arg14[%swap3A_345, %swap3A_346], %swap3A_349 {strides = array<i32>} : memref<2x80xi32, #tpu.memory_space<vmem>>, vector<1x16xi32>,
      %get3A_350 = arith.constant 1 : i32
      %get3A_351 = arith.index_cast %get3A_350 : i32 to index
      %get3A_352 = arith.constant 16 : index
      %get3A_353 = tpu.vector_load %arg8[%get3A_351, %get3A_352] {strides = array<i32>} : memref<2x80xi32, #tpu.memory_space<vmem>>, vector<1x16xi32>,
      %get3A_354 = vector.shape_cast %get3A_353 : vector<1x16xi32> to vector<16xi32>
      %swap3A_355 = arith.constant 1 : i32
      %swap3A_356 = arith.index_cast %swap3A_355 : i32 to index
      %swap3A_357 = arith.constant 16 : index
      %swap3A_358 = tpu.vector_load %arg14[%swap3A_356, %swap3A_357] {strides = array<i32>} : memref<2x80xi32, #tpu.memory_space<vmem>>, vector<1x16xi32>,
      %swap3A_359 = vector.shape_cast %swap3A_358 : vector<1x16xi32> to vector<16xi32>
      %swap3A_360 = vector.shape_cast %get3A_354 : vector<16xi32> to vector<1x16xi32>
      tpu.vector_store %arg14[%swap3A_356, %swap3A_357], %swap3A_360 {strides = array<i32>} : memref<2x80xi32, #tpu.memory_space<vmem>>, vector<1x16xi32>,
      %get3A_361 = arith.constant 1 : i32
      %get3A_362 = arith.index_cast %get3A_361 : i32 to index
      %get3A_363 = arith.constant 32 : index
      %get3A_364 = tpu.vector_load %arg8[%get3A_362, %get3A_363] {strides = array<i32>} : memref<2x80xi32, #tpu.memory_space<vmem>>, vector<1x16xi32>,
      %get3A_365 = vector.shape_cast %get3A_364 : vector<1x16xi32> to vector<16xi32>
      %swap3A_366 = arith.constant 1 : i32
      %swap3A_367 = arith.index_cast %swap3A_366 : i32 to index
      %swap3A_368 = arith.constant 32 : index
      %swap3A_369 = tpu.vector_load %arg14[%swap3A_367, %swap3A_368] {strides = array<i32>} : memref<2x80xi32, #tpu.memory_space<vmem>>, vector<1x16xi32>,
      %swap3A_370 = vector.shape_cast %swap3A_369 : vector<1x16xi32> to vector<16xi32>
      %swap3A_371 = vector.shape_cast %get3A_365 : vector<16xi32> to vector<1x16xi32>
      tpu.vector_store %arg14[%swap3A_367, %swap3A_368], %swap3A_371 {strides = array<i32>} : memref<2x80xi32, #tpu.memory_space<vmem>>, vector<1x16xi32>,
      %get3A_372 = arith.constant 1 : i32
      %get3A_373 = arith.index_cast %get3A_372 : i32 to index
      %get3A_374 = arith.constant 48 : index
      %get3A_375 = tpu.vector_load %arg8[%get3A_373, %get3A_374] {strides = array<i32>} : memref<2x80xi32, #tpu.memory_space<vmem>>, vector<1x16xi32>,
      %get3A_376 = vector.shape_cast %get3A_375 : vector<1x16xi32> to vector<16xi32>
      %swap3A_377 = arith.constant 1 : i32
      %swap3A_378 = arith.index_cast %swap3A_377 : i32 to index
      %swap3A_379 = arith.constant 48 : index
      %swap3A_380 = tpu.vector_load %arg14[%swap3A_378, %swap3A_379] {strides = array<i32>} : memref<2x80xi32, #tpu.memory_space<vmem>>, vector<1x16xi32>,
      %swap3A_381 = vector.shape_cast %swap3A_380 : vector<1x16xi32> to vector<16xi32>
      %swap3A_382 = vector.shape_cast %get3A_376 : vector<16xi32> to vector<1x16xi32>
      tpu.vector_store %arg14[%swap3A_378, %swap3A_379], %swap3A_382 {strides = array<i32>} : memref<2x80xi32, #tpu.memory_space<vmem>>, vector<1x16xi32>,
      %get3A_383 = arith.constant 1 : i32
      %get3A_384 = arith.index_cast %get3A_383 : i32 to index
      %get3A_385 = arith.constant 64 : index
      %get3A_386 = tpu.vector_load %arg8[%get3A_384, %get3A_385] {strides = array<i32>} : memref<2x80xi32, #tpu.memory_space<vmem>>, vector<1x16xi32>,
      %get3A_387 = vector.shape_cast %get3A_386 : vector<1x16xi32> to vector<16xi32>
      %swap3A_388 = arith.constant 1 : i32
      %swap3A_389 = arith.index_cast %swap3A_388 : i32 to index
      %swap3A_390 = arith.constant 64 : index
      %swap3A_391 = tpu.vector_load %arg14[%swap3A_389, %swap3A_390] {strides = array<i32>} : memref<2x80xi32, #tpu.memory_space<vmem>>, vector<1x16xi32>,
      %swap3A_392 = vector.shape_cast %swap3A_391 : vector<1x16xi32> to vector<16xi32>
      %swap3A_393 = vector.shape_cast %get3A_387 : vector<16xi32> to vector<1x16xi32>
      tpu.vector_store %arg14[%swap3A_389, %swap3A_390], %swap3A_393 {strides = array<i32>} : memref<2x80xi32, #tpu.memory_space<vmem>>, vector<1x16xi32>,
      %dma_start3A_394 = arith.constant 1 : i32
      %dma_start3A_395 = arith.constant 0 : i32
      %dma_start3A_396 = tpu.memref_slice %arg14[%dma_start3A_394, %dma_start3A_395] : memref<2x80xi32, #tpu.memory_space<vmem>> -> memref<1x80xi32, #tpu.memory_space<vmem>>
      %dma_start3A_397 = tpu.memref_squeeze %dma_start3A_396 : memref<1x80xi32, #tpu.memory_space<vmem>> -> memref<80xi32, #tpu.memory_space<vmem>>
      %dma_start3A_398 = arith.constant 0 : i32
      %dma_start3A_399 = arith.constant 0 : i32
      %dma_start3A_400 = tpu.memref_slice %arg6[%dma_start3A_398, %dma_start3A_399] : memref<10240x128xf32, #tpu.memory_space<vmem_shared>> -> memref<10240x128xf32, #tpu.memory_space<vmem_shared>>
      tpu.enqueue_indirect_dma source(%arg12 : memref<80x128xf32, #tpu.memory_space<vmem>>) target(%dma_start3A_400 : memref<10240x128xf32, #tpu.memory_space<vmem_shared>>) offsets(%dma_start3A_397 : memref<80xi32, #tpu.memory_space<vmem>>) semaphore(%arg22 : memref<!tpu.dma_semaphore, #tpu.memory_space<semaphore_mem>>) {add = true}
      %add3A_401 = arith.constant 2 : i32
      %add3A_402 = arith.addi %add3A_299, %add3A_401 : i32
      %lt3A_403 = arith.constant 125 : i32
      %lt3A_404 = arith.cmpi slt, %add3A_402, %lt3A_403 : i32
      %convert_element_type3A_405 = arith.extui %lt3A_404 : i1 to i32
      %cond3A_406 = arith.constant 0 : i32
      %cond3A_407 = arith.cmpi ne, %convert_element_type3A_405, %cond3A_406 : i32
      scf.if %cond3A_407 {
        %add3A_408 = arith.constant 2 : i32
        %add3A_409 = arith.addi %add3A_299, %add3A_408 : i32
        %dma_start3A_410 = arith.constant 0 : i32
        %dma_start3A_411 = arith.constant 0 : i32
        %dma_start3A_412 = tpu.memref_slice %arg3[%add3A, %add3A_409, %dma_start3A_410, %dma_start3A_411] : memref<32x125x2x80xi32, #tpu.memory_space<hbm>> -> memref<1x1x2x80xi32, #tpu.memory_space<hbm>>
        %dma_start3A_413 = tpu.memref_squeeze %dma_start3A_412 : memref<1x1x2x80xi32, #tpu.memory_space<hbm>> -> memref<2x80xi32, #tpu.memory_space<hbm>>
        %dma_start3A_414 = arith.constant 0 : i32
        %dma_start3A_415 = arith.constant 0 : i32
        %dma_start3A_416 = tpu.memref_slice %arg3[%add3A, %add3A_409, %dma_start3A_414, %dma_start3A_415] : memref<32x125x2x80xi32, #tpu.memory_space<hbm>> -> memref<1x1x2x80xi32, #tpu.memory_space<hbm>>
        %dma_start3A_417 = tpu.memref_squeeze %dma_start3A_416 : memref<1x1x2x80xi32, #tpu.memory_space<hbm>> -> memref<2x80xi32, #tpu.memory_space<hbm>>
        tpu.enqueue_dma source(%dma_start3A_417 : memref<2x80xi32, #tpu.memory_space<hbm>>) target(%arg8 : memref<2x80xi32, #tpu.memory_space<vmem>>) target_semaphore(%arg16 : memref<!tpu.dma_semaphore, #tpu.memory_space<semaphore_mem>>)
        %mul3A_418 = arith.constant 40 : i32
        %mul3A_419 = arith.muli %add3A_409, %mul3A_418 : i32
        %add3A_420 = arith.addi %mul3A_41, %mul3A_419 : i32
        %dma_start3A_421 = arith.constant 0 : i32
        %dma_start3A_422 = tpu.memref_slice %arg2[%add3A_420, %dma_start3A_421] : memref<160000x128xi32, #tpu.memory_space<hbm>> -> memref<40x128xi32, #tpu.memory_space<hbm>>
        %dma_start3A_423 = arith.constant 0 : i32
        %dma_start3A_424 = tpu.memref_slice %arg2[%add3A_420, %dma_start3A_423] : memref<160000x128xi32, #tpu.memory_space<hbm>> -> memref<40x128xi32, #tpu.memory_space<hbm>>
        tpu.enqueue_dma source(%dma_start3A_424 : memref<40x128xi32, #tpu.memory_space<hbm>>) target(%arg10 : memref<40x128xi32, #tpu.memory_space<vmem>>) target_semaphore(%arg18 : memref<!tpu.dma_semaphore, #tpu.memory_space<semaphore_mem>>)
      } else {
      }
    }
    %scan3A_91 = arith.constant 62 : i32
    %dma_wait3A_92 = arith.constant 0 : i32
    %dma_wait3A_93 = arith.constant 0 : i32
    %dma_wait3A_94 = tpu.memref_slice %arg4[%dma_wait3A_92, %dma_wait3A_93] : memref<10000x128xf32, #tpu.memory_space<hbm>> -> memref<80x128xf32, #tpu.memory_space<hbm>>
    %dma_wait3A_95 = arith.constant 0 : i32
    %dma_wait3A_96 = arith.constant 0 : i32
    %dma_wait3A_97 = tpu.memref_slice %arg4[%dma_wait3A_95, %dma_wait3A_96] : memref<10000x128xf32, #tpu.memory_space<hbm>> -> memref<80x128xf32, #tpu.memory_space<hbm>>
    tpu.wait_dma2 semaphore(%arg22 : memref<!tpu.dma_semaphore, #tpu.memory_space<semaphore_mem>>) src(%dma_wait3A_97 : memref<80x128xf32, #tpu.memory_space<hbm>>) dst(%arg12 : memref<80x128xf32, #tpu.memory_space<vmem>>)
    %dma_wait3A_98 = arith.constant 0 : i32
    %dma_wait3A_99 = arith.constant 0 : i32
    %dma_wait3A_100 = tpu.memref_slice %arg2[%dma_wait3A_98, %dma_wait3A_99] : memref<160000x128xi32, #tpu.memory_space<hbm>> -> memref<40x128xi32, #tpu.memory_space<hbm>>
    %dma_wait3A_101 = arith.constant 0 : i32
    %dma_wait3A_102 = arith.constant 0 : i32
    %dma_wait3A_103 = tpu.memref_slice %arg2[%dma_wait3A_101, %dma_wait3A_102] : memref<160000x128xi32, #tpu.memory_space<hbm>> -> memref<40x128xi32, #tpu.memory_space<hbm>>
    tpu.wait_dma2 semaphore(%arg17 : memref<!tpu.dma_semaphore, #tpu.memory_space<semaphore_mem>>) src(%dma_wait3A_103 : memref<40x128xi32, #tpu.memory_space<hbm>>) dst(%arg9 : memref<40x128xi32, #tpu.memory_space<vmem>>)
    %dma_wait3A_104 = arith.constant 0 : i32
    %dma_wait3A_105 = arith.constant 0 : i32
    %dma_wait3A_106 = tpu.memref_slice %arg4[%dma_wait3A_104, %dma_wait3A_105] : memref<10000x128xf32, #tpu.memory_space<hbm>> -> memref<80x128xf32, #tpu.memory_space<hbm>>
    %dma_wait3A_107 = arith.constant 0 : i32
    %dma_wait3A_108 = arith.constant 0 : i32
    %dma_wait3A_109 = tpu.memref_slice %arg4[%dma_wait3A_107, %dma_wait3A_108] : memref<10000x128xf32, #tpu.memory_space<hbm>> -> memref<80x128xf32, #tpu.memory_space<hbm>>
    tpu.wait_dma2 semaphore(%arg19 : memref<!tpu.dma_semaphore, #tpu.memory_space<semaphore_mem>>) src(%dma_wait3A_109 : memref<80x128xf32, #tpu.memory_space<hbm>>) dst(%arg11 : memref<80x128xf32, #tpu.memory_space<vmem>>)
    %scan3A_110 = arith.constant 0 : i32
    %scan3A_111 = arith.constant 0 : i32
    %scan3A_112 = arith.constant 40 : i32
    %scan3A_113 = arith.addi %scan3A_111, %scan3A_112 : i32
    %scan3A_114 = arith.constant 1 : i32
    scf.for %scan3A_187 = %scan3A_111 to %scan3A_113 step %scan3A_114  : i32 {
      %add3A_188 = arith.constant 0 : i32
      %add3A_189 = arith.addi %scan3A_187, %add3A_188 : i32
      %get3A_190 = arith.index_cast %scan3A_187 : i32 to index
      %get3A_191 = arith.constant 0 : index
      %get3A_192 = tpu.vector_load %arg9[%get3A_190, %get3A_191] {strides = array<i32>} : memref<40x128xi32, #tpu.memory_space<vmem>>, vector<1x16xi32>,
      %get3A_193 = vector.shape_cast %get3A_192 : vector<1x16xi32> to vector<16xi32>
      %shift_left3A = arith.constant 16 : i32
      %shift_left3A_194 = vector.broadcast %shift_left3A : i32 to vector<16xi32>
      %shift_left3A_195 = arith.shli %get3A_193, %shift_left3A_194 : vector<16xi32>
      %bitcast_convert_type3A = tpu.bitcast %shift_left3A_195 : vector<16xi32> -> vector<16xf32>
      %and3A = arith.constant -65536 : i32
      %and3A_196 = vector.broadcast %and3A : i32 to vector<16xi32>
      %and3A_197 = arith.andi %get3A_193, %and3A_196 : vector<16xi32>
      %bitcast_convert_type3A_198 = tpu.bitcast %and3A_197 : vector<16xi32> -> vector<16xf32>
      %get3A_199 = arith.index_cast %add3A_189 : i32 to index
      %get3A_200 = arith.constant 0 : index
      %get3A_201 = tpu.vector_load %arg11[%get3A_199, %get3A_200] {strides = array<i32>} : memref<80x128xf32, #tpu.memory_space<vmem>>, vector<1x16xf32>,
      %get3A_202 = vector.shape_cast %get3A_201 : vector<1x16xf32> to vector<16xf32>
      %mul3A_203 = arith.mulf %get3A_202, %bitcast_convert_type3A : vector<16xf32>
      %swap3A_204 = arith.index_cast %add3A_189 : i32 to index
      %swap3A_205 = arith.constant 0 : index
      %swap3A_206 = tpu.vector_load %arg11[%swap3A_204, %swap3A_205] {strides = array<i32>} : memref<80x128xf32, #tpu.memory_space<vmem>>, vector<1x16xf32>,
      %swap3A_207 = vector.shape_cast %swap3A_206 : vector<1x16xf32> to vector<16xf32>
      %swap3A_208 = vector.shape_cast %mul3A_203 : vector<16xf32> to vector<1x16xf32>
      tpu.vector_store %arg11[%swap3A_204, %swap3A_205], %swap3A_208 {strides = array<i32>} : memref<80x128xf32, #tpu.memory_space<vmem>>, vector<1x16xf32>,
      %get3A_209 = arith.index_cast %add3A_189 : i32 to index
      %get3A_210 = arith.constant 16 : index
      %get3A_211 = tpu.vector_load %arg11[%get3A_209, %get3A_210] {strides = array<i32>} : memref<80x128xf32, #tpu.memory_space<vmem>>, vector<1x16xf32>,
      %get3A_212 = vector.shape_cast %get3A_211 : vector<1x16xf32> to vector<16xf32>
      %mul3A_213 = arith.mulf %get3A_212, %bitcast_convert_type3A_198 : vector<16xf32>
      %swap3A_214 = arith.index_cast %add3A_189 : i32 to index
      %swap3A_215 = arith.constant 16 : index
      %swap3A_216 = tpu.vector_load %arg11[%swap3A_214, %swap3A_215] {strides = array<i32>} : memref<80x128xf32, #tpu.memory_space<vmem>>, vector<1x16xf32>,
      %swap3A_217 = vector.shape_cast %swap3A_216 : vector<1x16xf32> to vector<16xf32>
      %swap3A_218 = vector.shape_cast %mul3A_213 : vector<16xf32> to vector<1x16xf32>
      tpu.vector_store %arg11[%swap3A_214, %swap3A_215], %swap3A_218 {strides = array<i32>} : memref<80x128xf32, #tpu.memory_space<vmem>>, vector<1x16xf32>,
      %get3A_219 = arith.index_cast %scan3A_187 : i32 to index
      %get3A_220 = arith.constant 16 : index
      %get3A_221 = tpu.vector_load %arg9[%get3A_219, %get3A_220] {strides = array<i32>} : memref<40x128xi32, #tpu.memory_space<vmem>>, vector<1x16xi32>,
      %get3A_222 = vector.shape_cast %get3A_221 : vector<1x16xi32> to vector<16xi32>
      %shift_left3A_223 = arith.constant 16 : i32
      %shift_left3A_224 = vector.broadcast %shift_left3A_223 : i32 to vector<16xi32>
      %shift_left3A_225 = arith.shli %get3A_222, %shift_left3A_224 : vector<16xi32>
      %bitcast_convert_type3A_226 = tpu.bitcast %shift_left3A_225 : vector<16xi32> -> vector<16xf32>
      %and3A_227 = arith.constant -65536 : i32
      %and3A_228 = vector.broadcast %and3A_227 : i32 to vector<16xi32>
      %and3A_229 = arith.andi %get3A_222, %and3A_228 : vector<16xi32>
      %bitcast_convert_type3A_230 = tpu.bitcast %and3A_229 : vector<16xi32> -> vector<16xf32>
      %get3A_231 = arith.index_cast %add3A_189 : i32 to index
      %get3A_232 = arith.constant 32 : index
      %get3A_233 = tpu.vector_load %arg11[%get3A_231, %get3A_232] {strides = array<i32>} : memref<80x128xf32, #tpu.memory_space<vmem>>, vector<1x16xf32>,
      %get3A_234 = vector.shape_cast %get3A_233 : vector<1x16xf32> to vector<16xf32>
      %mul3A_235 = arith.mulf %get3A_234, %bitcast_convert_type3A_226 : vector<16xf32>
      %swap3A_236 = arith.index_cast %add3A_189 : i32 to index
      %swap3A_237 = arith.constant 32 : index
      %swap3A_238 = tpu.vector_load %arg11[%swap3A_236, %swap3A_237] {strides = array<i32>} : memref<80x128xf32, #tpu.memory_space<vmem>>, vector<1x16xf32>,
      %swap3A_239 = vector.shape_cast %swap3A_238 : vector<1x16xf32> to vector<16xf32>
      %swap3A_240 = vector.shape_cast %mul3A_235 : vector<16xf32> to vector<1x16xf32>
      tpu.vector_store %arg11[%swap3A_236, %swap3A_237], %swap3A_240 {strides = array<i32>} : memref<80x128xf32, #tpu.memory_space<vmem>>, vector<1x16xf32>,
      %get3A_241 = arith.index_cast %add3A_189 : i32 to index
      %get3A_242 = arith.constant 48 : index
      %get3A_243 = tpu.vector_load %arg11[%get3A_241, %get3A_242] {strides = array<i32>} : memref<80x128xf32, #tpu.memory_space<vmem>>, vector<1x16xf32>,
      %get3A_244 = vector.shape_cast %get3A_243 : vector<1x16xf32> to vector<16xf32>
      %mul3A_245 = arith.mulf %get3A_244, %bitcast_convert_type3A_230 : vector<16xf32>
      %swap3A_246 = arith.index_cast %add3A_189 : i32 to index
      %swap3A_247 = arith.constant 48 : index
      %swap3A_248 = tpu.vector_load %arg11[%swap3A_246, %swap3A_247] {strides = array<i32>} : memref<80x128xf32, #tpu.memory_space<vmem>>, vector<1x16xf32>,
      %swap3A_249 = vector.shape_cast %swap3A_248 : vector<1x16xf32> to vector<16xf32>
      %swap3A_250 = vector.shape_cast %mul3A_245 : vector<16xf32> to vector<1x16xf32>
      tpu.vector_store %arg11[%swap3A_246, %swap3A_247], %swap3A_250 {strides = array<i32>} : memref<80x128xf32, #tpu.memory_space<vmem>>, vector<1x16xf32>,
      %get3A_251 = arith.index_cast %scan3A_187 : i32 to index
      %get3A_252 = arith.constant 32 : index
      %get3A_253 = tpu.vector_load %arg9[%get3A_251, %get3A_252] {strides = array<i32>} : memref<40x128xi32, #tpu.memory_space<vmem>>, vector<1x16xi32>,
      %get3A_254 = vector.shape_cast %get3A_253 : vector<1x16xi32> to vector<16xi32>
      %shift_left3A_255 = arith.constant 16 : i32
      %shift_left3A_256 = vector.broadcast %shift_left3A_255 : i32 to vector<16xi32>
      %shift_left3A_257 = arith.shli %get3A_254, %shift_left3A_256 : vector<16xi32>
      %bitcast_convert_type3A_258 = tpu.bitcast %shift_left3A_257 : vector<16xi32> -> vector<16xf32>
      %and3A_259 = arith.constant -65536 : i32
      %and3A_260 = vector.broadcast %and3A_259 : i32 to vector<16xi32>
      %and3A_261 = arith.andi %get3A_254, %and3A_260 : vector<16xi32>
      %bitcast_convert_type3A_262 = tpu.bitcast %and3A_261 : vector<16xi32> -> vector<16xf32>
      %get3A_263 = arith.index_cast %add3A_189 : i32 to index
      %get3A_264 = arith.constant 64 : index
      %get3A_265 = tpu.vector_load %arg11[%get3A_263, %get3A_264] {strides = array<i32>} : memref<80x128xf32, #tpu.memory_space<vmem>>, vector<1x16xf32>,
      %get3A_266 = vector.shape_cast %get3A_265 : vector<1x16xf32> to vector<16xf32>
      %mul3A_267 = arith.mulf %get3A_266, %bitcast_convert_type3A_258 : vector<16xf32>
      %swap3A_268 = arith.index_cast %add3A_189 : i32 to index
      %swap3A_269 = arith.constant 64 : index
      %swap3A_270 = tpu.vector_load %arg11[%swap3A_268, %swap3A_269] {strides = array<i32>} : memref<80x128xf32, #tpu.memory_space<vmem>>, vector<1x16xf32>,
      %swap3A_271 = vector.shape_cast %swap3A_270 : vector<1x16xf32> to vector<16xf32>
      %swap3A_272 = vector.shape_cast %mul3A_267 : vector<16xf32> to vector<1x16xf32>
      tpu.vector_store %arg11[%swap3A_268, %swap3A_269], %swap3A_272 {strides = array<i32>} : memref<80x128xf32, #tpu.memory_space<vmem>>, vector<1x16xf32>,
      %get3A_273 = arith.index_cast %add3A_189 : i32 to index
      %get3A_274 = arith.constant 80 : index
      %get3A_275 = tpu.vector_load %arg11[%get3A_273, %get3A_274] {strides = array<i32>} : memref<80x128xf32, #tpu.memory_space<vmem>>, vector<1x16xf32>,
      %get3A_276 = vector.shape_cast %get3A_275 : vector<1x16xf32> to vector<16xf32>
      %mul3A_277 = arith.mulf %get3A_276, %bitcast_convert_type3A_262 : vector<16xf32>
      %swap3A_278 = arith.index_cast %add3A_189 : i32 to index
      %swap3A_279 = arith.constant 80 : index
      %swap3A_280 = tpu.vector_load %arg11[%swap3A_278, %swap3A_279] {strides = array<i32>} : memref<80x128xf32, #tpu.memory_space<vmem>>, vector<1x16xf32>,
      %swap3A_281 = vector.shape_cast %swap3A_280 : vector<1x16xf32> to vector<16xf32>
      %swap3A_282 = vector.shape_cast %mul3A_277 : vector<16xf32> to vector<1x16xf32>
      tpu.vector_store %arg11[%swap3A_278, %swap3A_279], %swap3A_282 {strides = array<i32>} : memref<80x128xf32, #tpu.memory_space<vmem>>, vector<1x16xf32>,
      %get3A_283 = arith.index_cast %scan3A_187 : i32 to index
      %get3A_284 = arith.constant 48 : index
      %get3A_285 = tpu.vector_load %arg9[%get3A_283, %get3A_284] {strides = array<i32>} : memref<40x128xi32, #tpu.memory_space<vmem>>, vector<1x16xi32>,
      %get3A_286 = vector.shape_cast %get3A_285 : vector<1x16xi32> to vector<16xi32>
      %shift_left3A_287 = arith.constant 16 : i32
      %shift_left3A_288 = vector.broadcast %shift_left3A_287 : i32 to vector<16xi32>
      %shift_left3A_289 = arith.shli %get3A_286, %shift_left3A_288 : vector<16xi32>
      %bitcast_convert_type3A_290 = tpu.bitcast %shift_left3A_289 : vector<16xi32> -> vector<16xf32>
      %and3A_291 = arith.constant -65536 : i32
      %and3A_292 = vector.broadcast %and3A_291 : i32 to vector<16xi32>
      %and3A_293 = arith.andi %get3A_286, %and3A_292 : vector<16xi32>
      %bitcast_convert_type3A_294 = tpu.bitcast %and3A_293 : vector<16xi32> -> vector<16xf32>
      %get3A_295 = arith.index_cast %add3A_189 : i32 to index
      %get3A_296 = arith.constant 96 : index
      %get3A_297 = tpu.vector_load %arg11[%get3A_295, %get3A_296] {strides = array<i32>} : memref<80x128xf32, #tpu.memory_space<vmem>>, vector<1x16xf32>,
      %get3A_298 = vector.shape_cast %get3A_297 : vector<1x16xf32> to vector<16xf32>
      %mul3A_299 = arith.mulf %get3A_298, %bitcast_convert_type3A_290 : vector<16xf32>
      %swap3A_300 = arith.index_cast %add3A_189 : i32 to index
      %swap3A_301 = arith.constant 96 : index
      %swap3A_302 = tpu.vector_load %arg11[%swap3A_300, %swap3A_301] {strides = array<i32>} : memref<80x128xf32, #tpu.memory_space<vmem>>, vector<1x16xf32>,
      %swap3A_303 = vector.shape_cast %swap3A_302 : vector<1x16xf32> to vector<16xf32>
      %swap3A_304 = vector.shape_cast %mul3A_299 : vector<16xf32> to vector<1x16xf32>
      tpu.vector_store %arg11[%swap3A_300, %swap3A_301], %swap3A_304 {strides = array<i32>} : memref<80x128xf32, #tpu.memory_space<vmem>>, vector<1x16xf32>,
      %get3A_305 = arith.index_cast %add3A_189 : i32 to index
      %get3A_306 = arith.constant 112 : index
      %get3A_307 = tpu.vector_load %arg11[%get3A_305, %get3A_306] {strides = array<i32>} : memref<80x128xf32, #tpu.memory_space<vmem>>, vector<1x16xf32>,
      %get3A_308 = vector.shape_cast %get3A_307 : vector<1x16xf32> to vector<16xf32>
      %mul3A_309 = arith.mulf %get3A_308, %bitcast_convert_type3A_294 : vector<16xf32>
      %swap3A_310 = arith.index_cast %add3A_189 : i32 to index
      %swap3A_311 = arith.constant 112 : index
      %swap3A_312 = tpu.vector_load %arg11[%swap3A_310, %swap3A_311] {strides = array<i32>} : memref<80x128xf32, #tpu.memory_space<vmem>>, vector<1x16xf32>,
      %swap3A_313 = vector.shape_cast %swap3A_312 : vector<1x16xf32> to vector<16xf32>
      %swap3A_314 = vector.shape_cast %mul3A_309 : vector<16xf32> to vector<1x16xf32>
      tpu.vector_store %arg11[%swap3A_310, %swap3A_311], %swap3A_314 {strides = array<i32>} : memref<80x128xf32, #tpu.memory_space<vmem>>, vector<1x16xf32>,
      %add3A_315 = arith.constant 40 : i32
      %add3A_316 = arith.addi %scan3A_187, %add3A_315 : i32
      %get3A_317 = arith.index_cast %scan3A_187 : i32 to index
      %get3A_318 = arith.constant 64 : index
      %get3A_319 = tpu.vector_load %arg9[%get3A_317, %get3A_318] {strides = array<i32>} : memref<40x128xi32, #tpu.memory_space<vmem>>, vector<1x16xi32>,
      %get3A_320 = vector.shape_cast %get3A_319 : vector<1x16xi32> to vector<16xi32>
      %shift_left3A_321 = arith.constant 16 : i32
      %shift_left3A_322 = vector.broadcast %shift_left3A_321 : i32 to vector<16xi32>
      %shift_left3A_323 = arith.shli %get3A_320, %shift_left3A_322 : vector<16xi32>
      %bitcast_convert_type3A_324 = tpu.bitcast %shift_left3A_323 : vector<16xi32> -> vector<16xf32>
      %and3A_325 = arith.constant -65536 : i32
      %and3A_326 = vector.broadcast %and3A_325 : i32 to vector<16xi32>
      %and3A_327 = arith.andi %get3A_320, %and3A_326 : vector<16xi32>
      %bitcast_convert_type3A_328 = tpu.bitcast %and3A_327 : vector<16xi32> -> vector<16xf32>
      %get3A_329 = arith.index_cast %add3A_316 : i32 to index
      %get3A_330 = arith.constant 0 : index
      %get3A_331 = tpu.vector_load %arg11[%get3A_329, %get3A_330] {strides = array<i32>} : memref<80x128xf32, #tpu.memory_space<vmem>>, vector<1x16xf32>,
      %get3A_332 = vector.shape_cast %get3A_331 : vector<1x16xf32> to vector<16xf32>
      %mul3A_333 = arith.mulf %get3A_332, %bitcast_convert_type3A_324 : vector<16xf32>
      %swap3A_334 = arith.index_cast %add3A_316 : i32 to index
      %swap3A_335 = arith.constant 0 : index
      %swap3A_336 = tpu.vector_load %arg11[%swap3A_334, %swap3A_335] {strides = array<i32>} : memref<80x128xf32, #tpu.memory_space<vmem>>, vector<1x16xf32>,
      %swap3A_337 = vector.shape_cast %swap3A_336 : vector<1x16xf32> to vector<16xf32>
      %swap3A_338 = vector.shape_cast %mul3A_333 : vector<16xf32> to vector<1x16xf32>
      tpu.vector_store %arg11[%swap3A_334, %swap3A_335], %swap3A_338 {strides = array<i32>} : memref<80x128xf32, #tpu.memory_space<vmem>>, vector<1x16xf32>,
      %get3A_339 = arith.index_cast %add3A_316 : i32 to index
      %get3A_340 = arith.constant 16 : index
      %get3A_341 = tpu.vector_load %arg11[%get3A_339, %get3A_340] {strides = array<i32>} : memref<80x128xf32, #tpu.memory_space<vmem>>, vector<1x16xf32>,
      %get3A_342 = vector.shape_cast %get3A_341 : vector<1x16xf32> to vector<16xf32>
      %mul3A_343 = arith.mulf %get3A_342, %bitcast_convert_type3A_328 : vector<16xf32>
      %swap3A_344 = arith.index_cast %add3A_316 : i32 to index
      %swap3A_345 = arith.constant 16 : index
      %swap3A_346 = tpu.vector_load %arg11[%swap3A_344, %swap3A_345] {strides = array<i32>} : memref<80x128xf32, #tpu.memory_space<vmem>>, vector<1x16xf32>,
      %swap3A_347 = vector.shape_cast %swap3A_346 : vector<1x16xf32> to vector<16xf32>
      %swap3A_348 = vector.shape_cast %mul3A_343 : vector<16xf32> to vector<1x16xf32>
      tpu.vector_store %arg11[%swap3A_344, %swap3A_345], %swap3A_348 {strides = array<i32>} : memref<80x128xf32, #tpu.memory_space<vmem>>, vector<1x16xf32>,
      %get3A_349 = arith.index_cast %scan3A_187 : i32 to index
      %get3A_350 = arith.constant 80 : index
      %get3A_351 = tpu.vector_load %arg9[%get3A_349, %get3A_350] {strides = array<i32>} : memref<40x128xi32, #tpu.memory_space<vmem>>, vector<1x16xi32>,
      %get3A_352 = vector.shape_cast %get3A_351 : vector<1x16xi32> to vector<16xi32>
      %shift_left3A_353 = arith.constant 16 : i32
      %shift_left3A_354 = vector.broadcast %shift_left3A_353 : i32 to vector<16xi32>
      %shift_left3A_355 = arith.shli %get3A_352, %shift_left3A_354 : vector<16xi32>
      %bitcast_convert_type3A_356 = tpu.bitcast %shift_left3A_355 : vector<16xi32> -> vector<16xf32>
      %and3A_357 = arith.constant -65536 : i32
      %and3A_358 = vector.broadcast %and3A_357 : i32 to vector<16xi32>
      %and3A_359 = arith.andi %get3A_352, %and3A_358 : vector<16xi32>
      %bitcast_convert_type3A_360 = tpu.bitcast %and3A_359 : vector<16xi32> -> vector<16xf32>
      %get3A_361 = arith.index_cast %add3A_316 : i32 to index
      %get3A_362 = arith.constant 32 : index
      %get3A_363 = tpu.vector_load %arg11[%get3A_361, %get3A_362] {strides = array<i32>} : memref<80x128xf32, #tpu.memory_space<vmem>>, vector<1x16xf32>,
      %get3A_364 = vector.shape_cast %get3A_363 : vector<1x16xf32> to vector<16xf32>
      %mul3A_365 = arith.mulf %get3A_364, %bitcast_convert_type3A_356 : vector<16xf32>
      %swap3A_366 = arith.index_cast %add3A_316 : i32 to index
      %swap3A_367 = arith.constant 32 : index
      %swap3A_368 = tpu.vector_load %arg11[%swap3A_366, %swap3A_367] {strides = array<i32>} : memref<80x128xf32, #tpu.memory_space<vmem>>, vector<1x16xf32>,
      %swap3A_369 = vector.shape_cast %swap3A_368 : vector<1x16xf32> to vector<16xf32>
      %swap3A_370 = vector.shape_cast %mul3A_365 : vector<16xf32> to vector<1x16xf32>
      tpu.vector_store %arg11[%swap3A_366, %swap3A_367], %swap3A_370 {strides = array<i32>} : memref<80x128xf32, #tpu.memory_space<vmem>>, vector<1x16xf32>,
      %get3A_371 = arith.index_cast %add3A_316 : i32 to index
      %get3A_372 = arith.constant 48 : index
      %get3A_373 = tpu.vector_load %arg11[%get3A_371, %get3A_372] {strides = array<i32>} : memref<80x128xf32, #tpu.memory_space<vmem>>, vector<1x16xf32>,
      %get3A_374 = vector.shape_cast %get3A_373 : vector<1x16xf32> to vector<16xf32>
      %mul3A_375 = arith.mulf %get3A_374, %bitcast_convert_type3A_360 : vector<16xf32>
      %swap3A_376 = arith.index_cast %add3A_316 : i32 to index
      %swap3A_377 = arith.constant 48 : index
      %swap3A_378 = tpu.vector_load %arg11[%swap3A_376, %swap3A_377] {strides = array<i32>} : memref<80x128xf32, #tpu.memory_space<vmem>>, vector<1x16xf32>,
      %swap3A_379 = vector.shape_cast %swap3A_378 : vector<1x16xf32> to vector<16xf32>
      %swap3A_380 = vector.shape_cast %mul3A_375 : vector<16xf32> to vector<1x16xf32>
      tpu.vector_store %arg11[%swap3A_376, %swap3A_377], %swap3A_380 {strides = array<i32>} : memref<80x128xf32, #tpu.memory_space<vmem>>, vector<1x16xf32>,
      %get3A_381 = arith.index_cast %scan3A_187 : i32 to index
      %get3A_382 = arith.constant 96 : index
      %get3A_383 = tpu.vector_load %arg9[%get3A_381, %get3A_382] {strides = array<i32>} : memref<40x128xi32, #tpu.memory_space<vmem>>, vector<1x16xi32>,
      %get3A_384 = vector.shape_cast %get3A_383 : vector<1x16xi32> to vector<16xi32>
      %shift_left3A_385 = arith.constant 16 : i32
      %shift_left3A_386 = vector.broadcast %shift_left3A_385 : i32 to vector<16xi32>
      %shift_left3A_387 = arith.shli %get3A_384, %shift_left3A_386 : vector<16xi32>
      %bitcast_convert_type3A_388 = tpu.bitcast %shift_left3A_387 : vector<16xi32> -> vector<16xf32>
      %and3A_389 = arith.constant -65536 : i32
      %and3A_390 = vector.broadcast %and3A_389 : i32 to vector<16xi32>
      %and3A_391 = arith.andi %get3A_384, %and3A_390 : vector<16xi32>
      %bitcast_convert_type3A_392 = tpu.bitcast %and3A_391 : vector<16xi32> -> vector<16xf32>
      %get3A_393 = arith.index_cast %add3A_316 : i32 to index
      %get3A_394 = arith.constant 64 : index
      %get3A_395 = tpu.vector_load %arg11[%get3A_393, %get3A_394] {strides = array<i32>} : memref<80x128xf32, #tpu.memory_space<vmem>>, vector<1x16xf32>,
      %get3A_396 = vector.shape_cast %get3A_395 : vector<1x16xf32> to vector<16xf32>
      %mul3A_397 = arith.mulf %get3A_396, %bitcast_convert_type3A_388 : vector<16xf32>
      %swap3A_398 = arith.index_cast %add3A_316 : i32 to index
      %swap3A_399 = arith.constant 64 : index
      %swap3A_400 = tpu.vector_load %arg11[%swap3A_398, %swap3A_399] {strides = array<i32>} : memref<80x128xf32, #tpu.memory_space<vmem>>, vector<1x16xf32>,
      %swap3A_401 = vector.shape_cast %swap3A_400 : vector<1x16xf32> to vector<16xf32>
      %swap3A_402 = vector.shape_cast %mul3A_397 : vector<16xf32> to vector<1x16xf32>
      tpu.vector_store %arg11[%swap3A_398, %swap3A_399], %swap3A_402 {strides = array<i32>} : memref<80x128xf32, #tpu.memory_space<vmem>>, vector<1x16xf32>,
      %get3A_403 = arith.index_cast %add3A_316 : i32 to index
      %get3A_404 = arith.constant 80 : index
      %get3A_405 = tpu.vector_load %arg11[%get3A_403, %get3A_404] {strides = array<i32>} : memref<80x128xf32, #tpu.memory_space<vmem>>, vector<1x16xf32>,
      %get3A_406 = vector.shape_cast %get3A_405 : vector<1x16xf32> to vector<16xf32>
      %mul3A_407 = arith.mulf %get3A_406, %bitcast_convert_type3A_392 : vector<16xf32>
      %swap3A_408 = arith.index_cast %add3A_316 : i32 to index
      %swap3A_409 = arith.constant 80 : index
      %swap3A_410 = tpu.vector_load %arg11[%swap3A_408, %swap3A_409] {strides = array<i32>} : memref<80x128xf32, #tpu.memory_space<vmem>>, vector<1x16xf32>,
      %swap3A_411 = vector.shape_cast %swap3A_410 : vector<1x16xf32> to vector<16xf32>
      %swap3A_412 = vector.shape_cast %mul3A_407 : vector<16xf32> to vector<1x16xf32>
      tpu.vector_store %arg11[%swap3A_408, %swap3A_409], %swap3A_412 {strides = array<i32>} : memref<80x128xf32, #tpu.memory_space<vmem>>, vector<1x16xf32>,
      %get3A_413 = arith.index_cast %scan3A_187 : i32 to index
      %get3A_414 = arith.constant 112 : index
      %get3A_415 = tpu.vector_load %arg9[%get3A_413, %get3A_414] {strides = array<i32>} : memref<40x128xi32, #tpu.memory_space<vmem>>, vector<1x16xi32>,
      %get3A_416 = vector.shape_cast %get3A_415 : vector<1x16xi32> to vector<16xi32>
      %shift_left3A_417 = arith.constant 16 : i32
      %shift_left3A_418 = vector.broadcast %shift_left3A_417 : i32 to vector<16xi32>
      %shift_left3A_419 = arith.shli %get3A_416, %shift_left3A_418 : vector<16xi32>
      %bitcast_convert_type3A_420 = tpu.bitcast %shift_left3A_419 : vector<16xi32> -> vector<16xf32>
      %and3A_421 = arith.constant -65536 : i32
      %and3A_422 = vector.broadcast %and3A_421 : i32 to vector<16xi32>
      %and3A_423 = arith.andi %get3A_416, %and3A_422 : vector<16xi32>
      %bitcast_convert_type3A_424 = tpu.bitcast %and3A_423 : vector<16xi32> -> vector<16xf32>
      %get3A_425 = arith.index_cast %add3A_316 : i32 to index
      %get3A_426 = arith.constant 96 : index
      %get3A_427 = tpu.vector_load %arg11[%get3A_425, %get3A_426] {strides = array<i32>} : memref<80x128xf32, #tpu.memory_space<vmem>>, vector<1x16xf32>,
      %get3A_428 = vector.shape_cast %get3A_427 : vector<1x16xf32> to vector<16xf32>
      %mul3A_429 = arith.mulf %get3A_428, %bitcast_convert_type3A_420 : vector<16xf32>
      %swap3A_430 = arith.index_cast %add3A_316 : i32 to index
      %swap3A_431 = arith.constant 96 : index
      %swap3A_432 = tpu.vector_load %arg11[%swap3A_430, %swap3A_431] {strides = array<i32>} : memref<80x128xf32, #tpu.memory_space<vmem>>, vector<1x16xf32>,
      %swap3A_433 = vector.shape_cast %swap3A_432 : vector<1x16xf32> to vector<16xf32>
      %swap3A_434 = vector.shape_cast %mul3A_429 : vector<16xf32> to vector<1x16xf32>
      tpu.vector_store %arg11[%swap3A_430, %swap3A_431], %swap3A_434 {strides = array<i32>} : memref<80x128xf32, #tpu.memory_space<vmem>>, vector<1x16xf32>,
      %get3A_435 = arith.index_cast %add3A_316 : i32 to index
      %get3A_436 = arith.constant 112 : index
      %get3A_437 = tpu.vector_load %arg11[%get3A_435, %get3A_436] {strides = array<i32>} : memref<80x128xf32, #tpu.memory_space<vmem>>, vector<1x16xf32>,
      %get3A_438 = vector.shape_cast %get3A_437 : vector<1x16xf32> to vector<16xf32>
      %mul3A_439 = arith.mulf %get3A_438, %bitcast_convert_type3A_424 : vector<16xf32>
      %swap3A_440 = arith.index_cast %add3A_316 : i32 to index
      %swap3A_441 = arith.constant 112 : index
      %swap3A_442 = tpu.vector_load %arg11[%swap3A_440, %swap3A_441] {strides = array<i32>} : memref<80x128xf32, #tpu.memory_space<vmem>>, vector<1x16xf32>,
      %swap3A_443 = vector.shape_cast %swap3A_442 : vector<1x16xf32> to vector<16xf32>
      %swap3A_444 = vector.shape_cast %mul3A_439 : vector<16xf32> to vector<1x16xf32>
      tpu.vector_store %arg11[%swap3A_440, %swap3A_441], %swap3A_444 {strides = array<i32>} : memref<80x128xf32, #tpu.memory_space<vmem>>, vector<1x16xf32>,
    }
    %scan3A_115 = arith.constant 40 : i32
    %get3A = arith.constant 1 : i32
    %get3A_116 = arith.index_cast %get3A : i32 to index
    %get3A_117 = arith.constant 0 : index
    %get3A_118 = tpu.vector_load %arg7[%get3A_116, %get3A_117] {strides = array<i32>} : memref<2x80xi32, #tpu.memory_space<vmem>>, vector<1x16xi32>,
    %get3A_119 = vector.shape_cast %get3A_118 : vector<1x16xi32> to vector<16xi32>
    %swap3A = arith.constant 1 : i32
    %swap3A_120 = arith.index_cast %swap3A : i32 to index
    %swap3A_121 = arith.constant 0 : index
    %swap3A_122 = tpu.vector_load %arg13[%swap3A_120, %swap3A_121] {strides = array<i32>} : memref<2x80xi32, #tpu.memory_space<vmem>>, vector<1x16xi32>,
    %swap3A_123 = vector.shape_cast %swap3A_122 : vector<1x16xi32> to vector<16xi32>
    %swap3A_124 = vector.shape_cast %get3A_119 : vector<16xi32> to vector<1x16xi32>
    tpu.vector_store %arg13[%swap3A_120, %swap3A_121], %swap3A_124 {strides = array<i32>} : memref<2x80xi32, #tpu.memory_space<vmem>>, vector<1x16xi32>,
    %get3A_125 = arith.constant 1 : i32
    %get3A_126 = arith.index_cast %get3A_125 : i32 to index
    %get3A_127 = arith.constant 16 : index
    %get3A_128 = tpu.vector_load %arg7[%get3A_126, %get3A_127] {strides = array<i32>} : memref<2x80xi32, #tpu.memory_space<vmem>>, vector<1x16xi32>,
    %get3A_129 = vector.shape_cast %get3A_128 : vector<1x16xi32> to vector<16xi32>
    %swap3A_130 = arith.constant 1 : i32
    %swap3A_131 = arith.index_cast %swap3A_130 : i32 to index
    %swap3A_132 = arith.constant 16 : index
    %swap3A_133 = tpu.vector_load %arg13[%swap3A_131, %swap3A_132] {strides = array<i32>} : memref<2x80xi32, #tpu.memory_space<vmem>>, vector<1x16xi32>,
    %swap3A_134 = vector.shape_cast %swap3A_133 : vector<1x16xi32> to vector<16xi32>
    %swap3A_135 = vector.shape_cast %get3A_129 : vector<16xi32> to vector<1x16xi32>
    tpu.vector_store %arg13[%swap3A_131, %swap3A_132], %swap3A_135 {strides = array<i32>} : memref<2x80xi32, #tpu.memory_space<vmem>>, vector<1x16xi32>,
    %get3A_136 = arith.constant 1 : i32
    %get3A_137 = arith.index_cast %get3A_136 : i32 to index
    %get3A_138 = arith.constant 32 : index
    %get3A_139 = tpu.vector_load %arg7[%get3A_137, %get3A_138] {strides = array<i32>} : memref<2x80xi32, #tpu.memory_space<vmem>>, vector<1x16xi32>,
    %get3A_140 = vector.shape_cast %get3A_139 : vector<1x16xi32> to vector<16xi32>
    %swap3A_141 = arith.constant 1 : i32
    %swap3A_142 = arith.index_cast %swap3A_141 : i32 to index
    %swap3A_143 = arith.constant 32 : index
    %swap3A_144 = tpu.vector_load %arg13[%swap3A_142, %swap3A_143] {strides = array<i32>} : memref<2x80xi32, #tpu.memory_space<vmem>>, vector<1x16xi32>,
    %swap3A_145 = vector.shape_cast %swap3A_144 : vector<1x16xi32> to vector<16xi32>
    %swap3A_146 = vector.shape_cast %get3A_140 : vector<16xi32> to vector<1x16xi32>
    tpu.vector_store %arg13[%swap3A_142, %swap3A_143], %swap3A_146 {strides = array<i32>} : memref<2x80xi32, #tpu.memory_space<vmem>>, vector<1x16xi32>,
    %get3A_147 = arith.constant 1 : i32
    %get3A_148 = arith.index_cast %get3A_147 : i32 to index
    %get3A_149 = arith.constant 48 : index
    %get3A_150 = tpu.vector_load %arg7[%get3A_148, %get3A_149] {strides = array<i32>} : memref<2x80xi32, #tpu.memory_space<vmem>>, vector<1x16xi32>,
    %get3A_151 = vector.shape_cast %get3A_150 : vector<1x16xi32> to vector<16xi32>
    %swap3A_152 = arith.constant 1 : i32
    %swap3A_153 = arith.index_cast %swap3A_152 : i32 to index
    %swap3A_154 = arith.constant 48 : index
    %swap3A_155 = tpu.vector_load %arg13[%swap3A_153, %swap3A_154] {strides = array<i32>} : memref<2x80xi32, #tpu.memory_space<vmem>>, vector<1x16xi32>,
    %swap3A_156 = vector.shape_cast %swap3A_155 : vector<1x16xi32> to vector<16xi32>
    %swap3A_157 = vector.shape_cast %get3A_151 : vector<16xi32> to vector<1x16xi32>
    tpu.vector_store %arg13[%swap3A_153, %swap3A_154], %swap3A_157 {strides = array<i32>} : memref<2x80xi32, #tpu.memory_space<vmem>>, vector<1x16xi32>,
    %get3A_158 = arith.constant 1 : i32
    %get3A_159 = arith.index_cast %get3A_158 : i32 to index
    %get3A_160 = arith.constant 64 : index
    %get3A_161 = tpu.vector_load %arg7[%get3A_159, %get3A_160] {strides = array<i32>} : memref<2x80xi32, #tpu.memory_space<vmem>>, vector<1x16xi32>,
    %get3A_162 = vector.shape_cast %get3A_161 : vector<1x16xi32> to vector<16xi32>
    %swap3A_163 = arith.constant 1 : i32
    %swap3A_164 = arith.index_cast %swap3A_163 : i32 to index
    %swap3A_165 = arith.constant 64 : index
    %swap3A_166 = tpu.vector_load %arg13[%swap3A_164, %swap3A_165] {strides = array<i32>} : memref<2x80xi32, #tpu.memory_space<vmem>>, vector<1x16xi32>,
    %swap3A_167 = vector.shape_cast %swap3A_166 : vector<1x16xi32> to vector<16xi32>
    %swap3A_168 = vector.shape_cast %get3A_162 : vector<16xi32> to vector<1x16xi32>
    tpu.vector_store %arg13[%swap3A_164, %swap3A_165], %swap3A_168 {strides = array<i32>} : memref<2x80xi32, #tpu.memory_space<vmem>>, vector<1x16xi32>,
    %dma_start3A_169 = arith.constant 1 : i32
    %dma_start3A_170 = arith.constant 0 : i32
    %dma_start3A_171 = tpu.memref_slice %arg13[%dma_start3A_169, %dma_start3A_170] : memref<2x80xi32, #tpu.memory_space<vmem>> -> memref<1x80xi32, #tpu.memory_space<vmem>>
    %dma_start3A_172 = tpu.memref_squeeze %dma_start3A_171 : memref<1x80xi32, #tpu.memory_space<vmem>> -> memref<80xi32, #tpu.memory_space<vmem>>
    %dma_start3A_173 = arith.constant 0 : i32
    %dma_start3A_174 = arith.constant 0 : i32
    %dma_start3A_175 = tpu.memref_slice %arg6[%dma_start3A_173, %dma_start3A_174] : memref<10240x128xf32, #tpu.memory_space<vmem_shared>> -> memref<10240x128xf32, #tpu.memory_space<vmem_shared>>
    tpu.enqueue_indirect_dma source(%arg11 : memref<80x128xf32, #tpu.memory_space<vmem>>) target(%dma_start3A_175 : memref<10240x128xf32, #tpu.memory_space<vmem_shared>>) offsets(%dma_start3A_172 : memref<80xi32, #tpu.memory_space<vmem>>) semaphore(%arg21 : memref<!tpu.dma_semaphore, #tpu.memory_space<semaphore_mem>>) {add = true}
    %dma_wait3A_176 = arith.constant 0 : i32
    %dma_wait3A_177 = arith.constant 0 : i32
    %dma_wait3A_178 = tpu.memref_slice %arg4[%dma_wait3A_176, %dma_wait3A_177] : memref<10000x128xf32, #tpu.memory_space<hbm>> -> memref<80x128xf32, #tpu.memory_space<hbm>>
    %dma_wait3A_179 = arith.constant 0 : i32
    %dma_wait3A_180 = arith.constant 0 : i32
    %dma_wait3A_181 = tpu.memref_slice %arg4[%dma_wait3A_179, %dma_wait3A_180] : memref<10000x128xf32, #tpu.memory_space<hbm>> -> memref<80x128xf32, #tpu.memory_space<hbm>>
    tpu.wait_dma2 semaphore(%arg21 : memref<!tpu.dma_semaphore, #tpu.memory_space<semaphore_mem>>) src(%dma_wait3A_181 : memref<80x128xf32, #tpu.memory_space<hbm>>) dst(%arg11 : memref<80x128xf32, #tpu.memory_space<vmem>>)
    %barrier3A_182 = arith.constant 0 : index
    tpu.barrier barrier_id(%barrier3A_182)
    %mul3A_183 = arith.constant 640 : i32
    %mul3A_184 = arith.muli %arg1, %mul3A_183 : i32
    %mul3A_185 = arith.constant 640 : i32
    %mul3A_186 = arith.muli %arg1, %mul3A_185 : i32
    "tpu.region"() ({
      %run_scoped3A = tpu.sem_alloc : memref<!tpu.dma_semaphore, #tpu.memory_space<semaphore_mem>>
      %dma_start3A_187 = arith.constant 0 : i32
      %dma_start3A_188 = tpu.memref_slice %arg5[%arg0, %mul3A_186, %dma_start3A_187] : memref<2x10240x128xf32, #tpu.memory_space<hbm>> -> memref<1x640x128xf32, #tpu.memory_space<hbm>>
      %dma_start3A_189 = tpu.memref_squeeze %dma_start3A_188 : memref<1x640x128xf32, #tpu.memory_space<hbm>> -> memref<640x128xf32, #tpu.memory_space<hbm>>
      %dma_start3A_190 = arith.constant 0 : i32
      %dma_start3A_191 = tpu.memref_slice %arg6[%mul3A_184, %dma_start3A_190] : memref<10240x128xf32, #tpu.memory_space<vmem_shared>> -> memref<640x128xf32, #tpu.memory_space<vmem_shared>>
      tpu.enqueue_dma source(%dma_start3A_191 : memref<640x128xf32, #tpu.memory_space<vmem_shared>>) target(%dma_start3A_189 : memref<640x128xf32, #tpu.memory_space<hbm>>) target_semaphore(%run_scoped3A : memref<!tpu.dma_semaphore, #tpu.memory_space<semaphore_mem>>)
      %dma_wait3A_192 = arith.constant 0 : i32
      %dma_wait3A_193 = tpu.memref_slice %arg5[%arg0, %mul3A_186, %dma_wait3A_192] : memref<2x10240x128xf32, #tpu.memory_space<hbm>> -> memref<1x640x128xf32, #tpu.memory_space<hbm>>
      %dma_wait3A_194 = tpu.memref_squeeze %dma_wait3A_193 : memref<1x640x128xf32, #tpu.memory_space<hbm>> -> memref<640x128xf32, #tpu.memory_space<hbm>>
      %dma_wait3A_195 = arith.constant 0 : i32
      %dma_wait3A_196 = tpu.memref_slice %arg6[%mul3A_184, %dma_wait3A_195] : memref<10240x128xf32, #tpu.memory_space<vmem_shared>> -> memref<640x128xf32, #tpu.memory_space<vmem_shared>>
      tpu.wait_dma2 semaphore(%run_scoped3A : memref<!tpu.dma_semaphore, #tpu.memory_space<semaphore_mem>>) src(%dma_wait3A_196 : memref<640x128xf32, #tpu.memory_space<vmem_shared>>) dst(%dma_wait3A_194 : memref<640x128xf32, #tpu.memory_space<hbm>>)
      tpu.yield
    }) : () -> ()
    return
  }
}

module attributes {stable_mosaic.version = 14 : i64} {
  func.func @_gate_body(%arg0: i32, %arg1: memref<16x1280xf32, #tpu.memory_space<vmem>>, %arg2: memref<16x1280xf32, #tpu.memory_space<vmem>>, %arg3: memref<9x1280xf32, #tpu.memory_space<vmem>>, %arg4: memref<9x1280xf32, #tpu.memory_space<vmem>>, %arg5: memref<16x128xf32, #tpu.memory_space<vmem>>, %arg6: memref<1x128xf32, #tpu.memory_space<vmem>>, %arg7: memref<128x64xf32, #tpu.memory_space<vmem>>, %arg8: memref<1x64xf32, #tpu.memory_space<vmem>>, %arg9: memref<128x64xf32, #tpu.memory_space<vmem>>, %arg10: memref<1x64xf32, #tpu.memory_space<vmem>>, %arg11: memref<9x1xf32, #tpu.memory_space<vmem>>, %arg12: memref<1280x128xi32, #tpu.memory_space<vmem>>) attributes {dimension_semantics = [#tpu.dimension_semantics<arbitrary>], iteration_bounds = array<i64: 125>, scalar_prefetch = 0 : i64, scratch_operands = 0 : i64, tpu.core_type = #tpu.core_type<tc>, window_params = [{transform_indices = @transform_0, window_bounds = array<i64: 16, 1280>}, {transform_indices = @transform_1, window_bounds = array<i64: 16, 1280>}, {transform_indices = @transform_2, window_bounds = array<i64: 9, 1280>}, {transform_indices = @transform_3, window_bounds = array<i64: 9, 1280>}, {pipeline_mode = #tpu.pipeline_mode<synchronous>, transform_indices = @transform_4, window_bounds = array<i64: 16, 128>}, {pipeline_mode = #tpu.pipeline_mode<synchronous>, transform_indices = @transform_5, window_bounds = array<i64: 1, 128>}, {pipeline_mode = #tpu.pipeline_mode<synchronous>, transform_indices = @transform_6, window_bounds = array<i64: 128, 64>}, {pipeline_mode = #tpu.pipeline_mode<synchronous>, transform_indices = @transform_7, window_bounds = array<i64: 1, 64>}, {pipeline_mode = #tpu.pipeline_mode<synchronous>, transform_indices = @transform_8, window_bounds = array<i64: 128, 64>}, {pipeline_mode = #tpu.pipeline_mode<synchronous>, transform_indices = @transform_9, window_bounds = array<i64: 1, 64>}, {pipeline_mode = #tpu.pipeline_mode<synchronous>, transform_indices = @transform_10, window_bounds = array<i64: 9, 1>}, {transform_indices = @transform_11, window_bounds = array<i64: 1280, 128>}]} {
    %get3A = arith.constant 0 : index
    %get3A_0 = arith.constant 0 : index
    %get3A_1 = vector.load %arg5[%get3A, %get3A_0] : memref<16x128xf32, #tpu.memory_space<vmem>>, vector<16x128xf32>
    %get3A_2 = arith.constant 0 : index
    %get3A_3 = arith.constant 0 : index
    %get3A_4 = vector.load %arg6[%get3A_2, %get3A_3] : memref<1x128xf32, #tpu.memory_space<vmem>>, vector<1x128xf32>
    %get3A_5 = arith.constant 0 : index
    %get3A_6 = arith.constant 0 : index
    %get3A_7 = vector.load %arg7[%get3A_5, %get3A_6] : memref<128x64xf32, #tpu.memory_space<vmem>>, vector<128x64xf32>
    %get3A_8 = arith.constant 0 : index
    %get3A_9 = arith.constant 0 : index
    %get3A_10 = vector.load %arg8[%get3A_8, %get3A_9] : memref<1x64xf32, #tpu.memory_space<vmem>>, vector<1x64xf32>
    %get3A_11 = arith.constant 0 : index
    %get3A_12 = arith.constant 0 : index
    %get3A_13 = vector.load %arg9[%get3A_11, %get3A_12] : memref<128x64xf32, #tpu.memory_space<vmem>>, vector<128x64xf32>
    %get3A_14 = arith.constant 0 : index
    %get3A_15 = arith.constant 0 : index
    %get3A_16 = vector.load %arg10[%get3A_14, %get3A_15] : memref<1x64xf32, #tpu.memory_space<vmem>>, vector<1x64xf32>
    %get3A_17 = arith.constant 0 : index
    %get3A_18 = arith.constant 0 : index
    %get3A_19 = vector.load %arg11[%get3A_17, %get3A_18] : memref<9x1xf32, #tpu.memory_space<vmem>>, vector<9x1xf32>
    %get3A_20 = arith.constant 0 : index
    %get3A_21 = arith.constant 0 : index
    %get3A_22 = vector.load %arg1[%get3A_20, %get3A_21] : memref<16x1280xf32, #tpu.memory_space<vmem>>, vector<16x1280xf32>
    %get3A_23 = arith.constant 0 : index
    %get3A_24 = arith.constant 0 : index
    %get3A_25 = vector.load %arg3[%get3A_23, %get3A_24] : memref<9x1280xf32, #tpu.memory_space<vmem>>, vector<9x1280xf32>
    %dot_general3A = arith.constant dense<0.000000e+00> : vector<1280x128xf32>
    %dot_general3A_26 = tpu.matmul %get3A_22, %get3A_1, %dot_general3A {dimension_numbers = #tpu.dot_dimension_numbers<[0], [0], [1], [1], [0, 1, 1, 1], [], []>, transpose_lhs_hint = false} : vector<16x1280xf32>, vector<16x128xf32>, vector<1280x128xf32> -> vector<1280x128xf32>
    %add3A = vector.broadcast %get3A_4 : vector<1x128xf32> to vector<1280x128xf32>
    %add3A_27 = arith.addf %dot_general3A_26, %add3A : vector<1280x128xf32>
    %max3A = arith.constant 0.000000e+00 : f32
    %max3A_28 = vector.broadcast %max3A : f32 to vector<1280x128xf32>
    %max3A_29 = arith.maximumf %add3A_27, %max3A_28 : vector<1280x128xf32>
    %dot_general3A_30 = arith.constant dense<0.000000e+00> : vector<1280x64xf32>
    %dot_general3A_31 = tpu.matmul %max3A_29, %get3A_7, %dot_general3A_30 {dimension_numbers = #tpu.dot_dimension_numbers<[1], [0], [0], [1], [0, 0, 1, 1], [], []>, transpose_lhs_hint = false} : vector<1280x128xf32>, vector<128x64xf32>, vector<1280x64xf32> -> vector<1280x64xf32>
    %add3A_32 = vector.broadcast %get3A_10 : vector<1x64xf32> to vector<1280x64xf32>
    %add3A_33 = arith.addf %dot_general3A_31, %add3A_32 : vector<1280x64xf32>
    %dot_general3A_34 = arith.constant dense<0.000000e+00> : vector<1280x64xf32>
    %dot_general3A_35 = tpu.matmul %max3A_29, %get3A_13, %dot_general3A_34 {dimension_numbers = #tpu.dot_dimension_numbers<[1], [0], [0], [1], [0, 0, 1, 1], [], []>, transpose_lhs_hint = false} : vector<1280x128xf32>, vector<128x64xf32>, vector<1280x64xf32> -> vector<1280x64xf32>
    %add3A_36 = vector.broadcast %get3A_16 : vector<1x64xf32> to vector<1280x64xf32>
    %add3A_37 = arith.addf %dot_general3A_35, %add3A_36 : vector<1280x64xf32>
    %dot_general3A_38 = arith.constant dense<0.000000e+00> : vector<1280x1xf32>
    %dot_general3A_39 = tpu.matmul %get3A_25, %get3A_19, %dot_general3A_38 {dimension_numbers = #tpu.dot_dimension_numbers<[0], [0], [1], [1], [0, 1, 1, 1], [], []>, transpose_lhs_hint = false} : vector<9x1280xf32>, vector<9x1xf32>, vector<1280x1xf32> -> vector<1280x1xf32>
    %mul3A = vector.broadcast %dot_general3A_39 : vector<1280x1xf32> to vector<1280x64xf32>
    %mul3A_40 = arith.mulf %add3A_33, %mul3A : vector<1280x64xf32>
    %bitcast_convert_type3A = tpu.bitcast %mul3A_40 : vector<1280x64xf32> -> vector<1280x64xi32>
    %shift_right_logical3A = arith.constant 16 : i32
    %shift_right_logical3A_41 = vector.broadcast %shift_right_logical3A : i32 to vector<1280x64xi32>
    %shift_right_logical3A_42 = arith.shrui %bitcast_convert_type3A, %shift_right_logical3A_41 : vector<1280x64xi32>
    %mul3A_43 = vector.broadcast %dot_general3A_39 : vector<1280x1xf32> to vector<1280x64xf32>
    %mul3A_44 = arith.mulf %add3A_37, %mul3A_43 : vector<1280x64xf32>
    %bitcast_convert_type3A_45 = tpu.bitcast %mul3A_44 : vector<1280x64xf32> -> vector<1280x64xi32>
    %and3A = arith.constant -65536 : i32
    %and3A_46 = vector.broadcast %and3A : i32 to vector<1280x64xi32>
    %and3A_47 = arith.andi %bitcast_convert_type3A_45, %and3A_46 : vector<1280x64xi32>
    %or3A = arith.ori %shift_right_logical3A_42, %and3A_47 : vector<1280x64xi32>
    %get3A_48 = arith.constant 0 : index
    %get3A_49 = arith.constant 0 : index
    %get3A_50 = vector.load %arg2[%get3A_48, %get3A_49] : memref<16x1280xf32, #tpu.memory_space<vmem>>, vector<16x1280xf32>
    %get3A_51 = arith.constant 0 : index
    %get3A_52 = arith.constant 0 : index
    %get3A_53 = vector.load %arg4[%get3A_51, %get3A_52] : memref<9x1280xf32, #tpu.memory_space<vmem>>, vector<9x1280xf32>
    %dot_general3A_54 = arith.constant dense<0.000000e+00> : vector<1280x128xf32>
    %dot_general3A_55 = tpu.matmul %get3A_50, %get3A_1, %dot_general3A_54 {dimension_numbers = #tpu.dot_dimension_numbers<[0], [0], [1], [1], [0, 1, 1, 1], [], []>, transpose_lhs_hint = false} : vector<16x1280xf32>, vector<16x128xf32>, vector<1280x128xf32> -> vector<1280x128xf32>
    %add3A_56 = vector.broadcast %get3A_4 : vector<1x128xf32> to vector<1280x128xf32>
    %add3A_57 = arith.addf %dot_general3A_55, %add3A_56 : vector<1280x128xf32>
    %max3A_58 = arith.constant 0.000000e+00 : f32
    %max3A_59 = vector.broadcast %max3A_58 : f32 to vector<1280x128xf32>
    %max3A_60 = arith.maximumf %add3A_57, %max3A_59 : vector<1280x128xf32>
    %dot_general3A_61 = arith.constant dense<0.000000e+00> : vector<1280x64xf32>
    %dot_general3A_62 = tpu.matmul %max3A_60, %get3A_7, %dot_general3A_61 {dimension_numbers = #tpu.dot_dimension_numbers<[1], [0], [0], [1], [0, 0, 1, 1], [], []>, transpose_lhs_hint = false} : vector<1280x128xf32>, vector<128x64xf32>, vector<1280x64xf32> -> vector<1280x64xf32>
    %add3A_63 = vector.broadcast %get3A_10 : vector<1x64xf32> to vector<1280x64xf32>
    %add3A_64 = arith.addf %dot_general3A_62, %add3A_63 : vector<1280x64xf32>
    %dot_general3A_65 = arith.constant dense<0.000000e+00> : vector<1280x64xf32>
    %dot_general3A_66 = tpu.matmul %max3A_60, %get3A_13, %dot_general3A_65 {dimension_numbers = #tpu.dot_dimension_numbers<[1], [0], [0], [1], [0, 0, 1, 1], [], []>, transpose_lhs_hint = false} : vector<1280x128xf32>, vector<128x64xf32>, vector<1280x64xf32> -> vector<1280x64xf32>
    %add3A_67 = vector.broadcast %get3A_16 : vector<1x64xf32> to vector<1280x64xf32>
    %add3A_68 = arith.addf %dot_general3A_66, %add3A_67 : vector<1280x64xf32>
    %dot_general3A_69 = arith.constant dense<0.000000e+00> : vector<1280x1xf32>
    %dot_general3A_70 = tpu.matmul %get3A_53, %get3A_19, %dot_general3A_69 {dimension_numbers = #tpu.dot_dimension_numbers<[0], [0], [1], [1], [0, 1, 1, 1], [], []>, transpose_lhs_hint = false} : vector<9x1280xf32>, vector<9x1xf32>, vector<1280x1xf32> -> vector<1280x1xf32>
    %mul3A_71 = vector.broadcast %dot_general3A_70 : vector<1280x1xf32> to vector<1280x64xf32>
    %mul3A_72 = arith.mulf %add3A_64, %mul3A_71 : vector<1280x64xf32>
    %bitcast_convert_type3A_73 = tpu.bitcast %mul3A_72 : vector<1280x64xf32> -> vector<1280x64xi32>
    %shift_right_logical3A_74 = arith.constant 16 : i32
    %shift_right_logical3A_75 = vector.broadcast %shift_right_logical3A_74 : i32 to vector<1280x64xi32>
    %shift_right_logical3A_76 = arith.shrui %bitcast_convert_type3A_73, %shift_right_logical3A_75 : vector<1280x64xi32>
    %mul3A_77 = vector.broadcast %dot_general3A_70 : vector<1280x1xf32> to vector<1280x64xf32>
    %mul3A_78 = arith.mulf %add3A_68, %mul3A_77 : vector<1280x64xf32>
    %bitcast_convert_type3A_79 = tpu.bitcast %mul3A_78 : vector<1280x64xf32> -> vector<1280x64xi32>
    %and3A_80 = arith.constant -65536 : i32
    %and3A_81 = vector.broadcast %and3A_80 : i32 to vector<1280x64xi32>
    %and3A_82 = arith.andi %bitcast_convert_type3A_79, %and3A_81 : vector<1280x64xi32>
    %or3A_83 = arith.ori %shift_right_logical3A_76, %and3A_82 : vector<1280x64xi32>
    %concatenate3A = tpu.concatenate %or3A, %or3A_83 in 1 : vector<1280x64xi32>, vector<1280x64xi32> -> vector<1280x128xi32>
    %swap3A = arith.constant 0 : index
    %swap3A_84 = arith.constant 0 : index
    %swap3A_85 = vector.load %arg12[%swap3A, %swap3A_84] : memref<1280x128xi32, #tpu.memory_space<vmem>>, vector<1280x128xi32>
    tpu.vector_store %arg12[%swap3A, %swap3A_84], %concatenate3A {strides = array<i32>} : memref<1280x128xi32, #tpu.memory_space<vmem>>, vector<1280x128xi32>,
    return
  }
  func.func @transform_0(%arg0: i32) -> (i32, i32) {
    %c0_i32 = arith.constant 0 : i32
    %c0_i32_0 = arith.constant 0 : i32
    return %c0_i32, %arg0 : i32, i32
  }
  func.func @transform_1(%arg0: i32) -> (i32, i32) {
    %add3A = arith.constant 125 : i32
    %add3A_0 = arith.addi %arg0, %add3A : i32
    %c0_i32 = arith.constant 0 : i32
    %c0_i32_1 = arith.constant 0 : i32
    return %c0_i32, %add3A_0 : i32, i32
  }
  func.func @transform_2(%arg0: i32) -> (i32, i32) {
    %c0_i32 = arith.constant 0 : i32
    %c0_i32_0 = arith.constant 0 : i32
    return %c0_i32, %arg0 : i32, i32
  }
  func.func @transform_3(%arg0: i32) -> (i32, i32) {
    %add3A = arith.constant 125 : i32
    %add3A_0 = arith.addi %arg0, %add3A : i32
    %c0_i32 = arith.constant 0 : i32
    %c0_i32_1 = arith.constant 0 : i32
    return %c0_i32, %add3A_0 : i32, i32
  }
  func.func @transform_4(%arg0: i32) -> (i32, i32) {
    %c0_i32 = arith.constant 0 : i32
    %c0_i32_0 = arith.constant 0 : i32
    %c0_i32_1 = arith.constant 0 : i32
    return %c0_i32, %c0_i32_0 : i32, i32
  }
  func.func @transform_5(%arg0: i32) -> (i32, i32) {
    %c0_i32 = arith.constant 0 : i32
    %c0_i32_0 = arith.constant 0 : i32
    %c0_i32_1 = arith.constant 0 : i32
    return %c0_i32, %c0_i32_0 : i32, i32
  }
  func.func @transform_6(%arg0: i32) -> (i32, i32) {
    %c0_i32 = arith.constant 0 : i32
    %c0_i32_0 = arith.constant 0 : i32
    %c0_i32_1 = arith.constant 0 : i32
    return %c0_i32, %c0_i32_0 : i32, i32
  }
  func.func @transform_7(%arg0: i32) -> (i32, i32) {
    %c0_i32 = arith.constant 0 : i32
    %c0_i32_0 = arith.constant 0 : i32
    %c0_i32_1 = arith.constant 0 : i32
    return %c0_i32, %c0_i32_0 : i32, i32
  }
  func.func @transform_8(%arg0: i32) -> (i32, i32) {
    %c0_i32 = arith.constant 0 : i32
    %c0_i32_0 = arith.constant 0 : i32
    %c0_i32_1 = arith.constant 0 : i32
    return %c0_i32, %c0_i32_0 : i32, i32
  }
  func.func @transform_9(%arg0: i32) -> (i32, i32) {
    %c0_i32 = arith.constant 0 : i32
    %c0_i32_0 = arith.constant 0 : i32
    %c0_i32_1 = arith.constant 0 : i32
    return %c0_i32, %c0_i32_0 : i32, i32
  }
  func.func @transform_10(%arg0: i32) -> (i32, i32) {
    %c0_i32 = arith.constant 0 : i32
    %c0_i32_0 = arith.constant 0 : i32
    %c0_i32_1 = arith.constant 0 : i32
    return %c0_i32, %c0_i32_0 : i32, i32
  }
  func.func @transform_11(%arg0: i32) -> (i32, i32) {
    %c0_i32 = arith.constant 0 : i32
    %c0_i32_0 = arith.constant 0 : i32
    return %arg0, %c0_i32 : i32, i32
  }
}

module attributes {stable_mosaic.version = 14 : i64} {
  func.func @_finish_body(%arg0: i32, %arg1: memref<1x1000x128xf32, #tpu.memory_space<vmem>>, %arg2: memref<1x1000x128xf32, #tpu.memory_space<vmem>>, %arg3: memref<1000x128xf32, #tpu.memory_space<vmem>>, %arg4: memref<128x128xf32, #tpu.memory_space<vmem>>, %arg5: memref<128x128xf32, #tpu.memory_space<vmem>>, %arg6: memref<1000x128xf32, #tpu.memory_space<vmem>>) attributes {dimension_semantics = [#tpu.dimension_semantics<arbitrary>], iteration_bounds = array<i64: 10>, scalar_prefetch = 0 : i64, scratch_operands = 0 : i64, tpu.core_type = #tpu.core_type<tc>, window_params = [{transform_indices = @transform_0, window_bounds = array<i64: 1, 1000, 128>}, {transform_indices = @transform_1, window_bounds = array<i64: 1, 1000, 128>}, {transform_indices = @transform_2, window_bounds = array<i64: 1000, 128>}, {pipeline_mode = #tpu.pipeline_mode<synchronous>, transform_indices = @transform_3, window_bounds = array<i64: 128, 128>}, {pipeline_mode = #tpu.pipeline_mode<synchronous>, transform_indices = @transform_4, window_bounds = array<i64: 128, 128>}, {transform_indices = @transform_5, window_bounds = array<i64: 1000, 128>}]} {
    %get3A = arith.constant 0 : index
    %get3A_0 = arith.constant 0 : index
    %get3A_1 = arith.constant 0 : index
    %get3A_2 = vector.load %arg1[%get3A, %get3A_0, %get3A_1] : memref<1x1000x128xf32, #tpu.memory_space<vmem>>, vector<1x1000x128xf32>
    %get3A_3 = vector.shape_cast %get3A_2 : vector<1x1000x128xf32> to vector<1000x128xf32>
    %get3A_4 = arith.constant 0 : index
    %get3A_5 = arith.constant 0 : index
    %get3A_6 = arith.constant 0 : index
    %get3A_7 = vector.load %arg2[%get3A_4, %get3A_5, %get3A_6] : memref<1x1000x128xf32, #tpu.memory_space<vmem>>, vector<1x1000x128xf32>
    %get3A_8 = vector.shape_cast %get3A_7 : vector<1x1000x128xf32> to vector<1000x128xf32>
    %add3A = arith.addf %get3A_3, %get3A_8 : vector<1000x128xf32>
    %get3A_9 = arith.constant 0 : index
    %get3A_10 = arith.constant 0 : index
    %get3A_11 = vector.load %arg4[%get3A_9, %get3A_10] : memref<128x128xf32, #tpu.memory_space<vmem>>, vector<128x128xf32>
    %dot_general3A = arith.constant dense<0.000000e+00> : vector<1000x128xf32>
    %dot_general3A_12 = tpu.matmul %add3A, %get3A_11, %dot_general3A {dimension_numbers = #tpu.dot_dimension_numbers<[1], [0], [0], [1], [0, 0, 1, 1], [], []>, transpose_lhs_hint = false} : vector<1000x128xf32>, vector<128x128xf32>, vector<1000x128xf32> -> vector<1000x128xf32>
    %get3A_13 = arith.constant 0 : index
    %get3A_14 = arith.constant 0 : index
    %get3A_15 = vector.load %arg3[%get3A_13, %get3A_14] : memref<1000x128xf32, #tpu.memory_space<vmem>>, vector<1000x128xf32>
    %get3A_16 = arith.constant 0 : index
    %get3A_17 = arith.constant 0 : index
    %get3A_18 = vector.load %arg5[%get3A_16, %get3A_17] : memref<128x128xf32, #tpu.memory_space<vmem>>, vector<128x128xf32>
    %dot_general3A_19 = arith.constant dense<0.000000e+00> : vector<1000x128xf32>
    %dot_general3A_20 = tpu.matmul %get3A_15, %get3A_18, %dot_general3A_19 {dimension_numbers = #tpu.dot_dimension_numbers<[1], [0], [0], [1], [0, 0, 1, 1], [], []>, transpose_lhs_hint = false} : vector<1000x128xf32>, vector<128x128xf32>, vector<1000x128xf32> -> vector<1000x128xf32>
    %add3A_21 = arith.addf %dot_general3A_12, %dot_general3A_20 : vector<1000x128xf32>
    %max3A = arith.constant 0.000000e+00 : f32
    %max3A_22 = vector.broadcast %max3A : f32 to vector<1000x128xf32>
    %max3A_23 = arith.maximumf %add3A_21, %max3A_22 : vector<1000x128xf32>
    %swap3A = arith.constant 0 : index
    %swap3A_24 = arith.constant 0 : index
    %swap3A_25 = vector.load %arg6[%swap3A, %swap3A_24] : memref<1000x128xf32, #tpu.memory_space<vmem>>, vector<1000x128xf32>
    tpu.vector_store %arg6[%swap3A, %swap3A_24], %max3A_23 {strides = array<i32>} : memref<1000x128xf32, #tpu.memory_space<vmem>>, vector<1000x128xf32>,
    return
  }
  func.func @transform_0(%arg0: i32) -> (i32, i32, i32) {
    %c0_i32 = arith.constant 0 : i32
    %c0_i32_0 = arith.constant 0 : i32
    %c0_i32_1 = arith.constant 0 : i32
    return %c0_i32, %arg0, %c0_i32_0 : i32, i32, i32
  }
  func.func @transform_1(%arg0: i32) -> (i32, i32, i32) {
    %c1_i32 = arith.constant 1 : i32
    %c0_i32 = arith.constant 0 : i32
    %c0_i32_0 = arith.constant 0 : i32
    return %c1_i32, %arg0, %c0_i32 : i32, i32, i32
  }
  func.func @transform_2(%arg0: i32) -> (i32, i32) {
    %c0_i32 = arith.constant 0 : i32
    %c0_i32_0 = arith.constant 0 : i32
    return %arg0, %c0_i32 : i32, i32
  }
  func.func @transform_3(%arg0: i32) -> (i32, i32) {
    %c0_i32 = arith.constant 0 : i32
    %c0_i32_0 = arith.constant 0 : i32
    %c0_i32_1 = arith.constant 0 : i32
    return %c0_i32, %c0_i32_0 : i32, i32
  }
  func.func @transform_4(%arg0: i32) -> (i32, i32) {
    %c0_i32 = arith.constant 0 : i32
    %c0_i32_0 = arith.constant 0 : i32
    %c0_i32_1 = arith.constant 0 : i32
    return %c0_i32, %c0_i32_0 : i32, i32
  }
  func.func @transform_5(%arg0: i32) -> (i32, i32) {
    %c0_i32 = arith.constant 0 : i32
    %c0_i32_0 = arith.constant 0 : i32
    return %arg0, %c0_i32 : i32, i32
  }
}

</mosaic_0001>

<sc_bundles>
// kernel: kernel.5.cloned.1.call-start
scs
__scs_entry_jumppad:
0x0: {  	(pc) =	sbr.rel $0x88, $3  }
0x1: {  	(tag) =	ssettag $0x0;
	lr =	simm.s32 $0x1  }
0x2: {  	[smem:$0x3F96] =	sst lr;
	_ =	strace $0xD0000000  }
0x3: {  	_ = 	snop  }
0x4: {  	_ = 	snop  }
0x5: {  	_ = 	snop  }
0x6: {  	_ = 	snop  }
0x7: {  	_ = 	snop  }
__scs_overlays_trampoline_lowered:
0x8: {  	[smem:$0x3FA5] =	sst s0  }
0x9: {  	[smem:$0x3FA6] =	sst s1  }
0xa: {  	[smem:$0x3FA7] =	sst s2  }
0xb: {  	[smem:$0x3FA8] =	sst s3  }
0xc: {  	[smem:$0x3FA9] =	sst s4  }
0xd: {  	[smem:$0x3FAA] =	sst s5  }
0xe: {  	[smem:$0x3FAB] =	sst s6  }
0xf: {  	[smem:$0x3FAC] =	sst s7  }
0x10: {  	[smem:$0x3FAD] =	sst s8  }
0x11: {  	[smem:$0x3FAE] =	sst s9;
	s0 =	simm.s32 @!p0 $0x0  }
0x12: {  	s1 =	sld [smem:$0x3F94];
	s0 =	simm.s32 @p0 $0x1  }
0x13: {  	[smem:$0x3FAF] =	sst s0;
	s0 =	simm.s32 @!p1 $0x0  }
0x14: {  	s2 =	sld [smem:$0x3F93];
	s0 =	simm.s32 @p1 $0x1  }
0x15: {  	[smem:$0x3FB0] =	sst s0;
	s0 =	simm.s32 @!p2 $0x0  }
0x16: {  	s3 =	sld [smem:$0x3FDB];
	s0 =	simm.s32 @p2 $0x1  }
0x17: {  	s4 =	simm.s32 $0x1BF5;
	[smem:$0x3FB2] =	sst s0  }
0x18: {  	s0 =	sld [smem:$0x3F95];
	_ =	swait.ge [sflag:s4], $0x0  }
0x19: {  	s7 =	sld [smem:$0x3F96]  }
0x1a: {  	s8 =	sadd.s32 $0xFFFFE003, lr  }
0x1b: {  	s9 =	sadd.s32 $0xFFFFFEF7, lr;
	s5 =	simm.s32 $0xFFFFFFFF;
	p2 =	slt.u32 s8, $0xFFFFF086  }
0x1c: {  	p1 =	slt.u32 s9, $0xF7A;
	s5 =	simm.s32 @!p2 $0x0  }
0x1d: {  	s5 =	simm.s32 @p1 $0x1;
	p0 =	seq.s32 s7, s2  }
0x1e: {  	s7 =	smul.u32 @!p0 $0xF7A, s2;
	p2 =	seq.s32 @!p0 s5, $0x0  }
0x1f: {  	s9 =	smul.u32 $0xF7A, s1;
	s8 =	simm.s32 @!p0 $0x1BF5;
	p2 =	por !p2, p0  }
0x20: {  	[sflag:s8] =	ssyncset.s32 @!p0 $0xFFFFF086;
	s6 =	sadd.s32 @!p0 s3, s7;
	s7 =	simm.s32 @!p0 $0x108  }
0x21: {  	s3 =	sadd.s32 s3, s9;
	s6 =	sadd.s32 @!p0 $0x88, s6;
	s7 =	simm.s32 @p2 $0x1082  }
0x22: {  	[simem:s7], [sflag:s8] =	dma.local @!p0 [hbm:s6], $0xF7A  }
0x23: {  	s9 =	sor.u32 $0xD0000000, s2;
	s6 =	simm.s32 $0x108;
	_ =	swait.ge @!p0 [sflag:s8], $0x0  }
0x24: {  	s3 =	sadd.s32 $0x88, s3;
	s6 =	simm.s32 @!p1 $0x1082;
	[sflag:s4] =	ssyncset.s32 $0xFFFFF086  }
0x25: {  	[simem:s6], [sflag:s4] =	dma.local [hbm:s3], $0xF7A  }
0x26: {  	[smem:$0x3F96] =	sst s1;
	(tag) =	ssettag s2;
	_ =	strace s9  }
0x27: {  	s1 =	sld [smem:$0x3FA6]  }
0x28: {  	s2 =	sld [smem:$0x3FA7]  }
0x29: {  	s4 =	sld [smem:$0x3FA9]  }
0x2a: {  	p0 =	seq.s32 s5, $0x0;
	s5 =	sld [smem:$0x3FAA]  }
0x2b: {  	s6 =	sld [smem:$0x3FAB]  }
0x2c: {  	s7 =	sld [smem:$0x3FAC]  }
0x2d: {  	s3 =	simm.s32 $0x108;
	s8 =	sld [smem:$0x3FAD]  }
0x2e: {  	s3 =	simm.s32 @!p0 $0x1082;
	s9 =	sld [smem:$0x3FAE]  }
0x2f: {  	lr =	sadd.s32 s0, s3;
	s0 =	sld [smem:$0x3FA5]  }
0x30: {  	s3 =	sld [smem:$0x3FA8]  }
0x31: {  	[smem:$0x3FB1] =	sst s10  }
0x32: {  	s10 =	sld [smem:$0x3FAF];
	_ =	sdelay $0x3  }
0x33: {  	p0 =	seq.s32 s10, $0x1;
	s10 =	sld [smem:$0x3FB1];
	_ =	sdelay $0x3  }
0x34: {  	[smem:$0x3FB1] =	sst s10  }
0x35: {  	s10 =	sld [smem:$0x3FB0];
	_ =	sdelay $0x3  }
0x36: {  	p1 =	seq.s32 s10, $0x1;
	s10 =	sld [smem:$0x3FB1];
	_ =	sdelay $0x3  }
0x37: {  	[smem:$0x3FB1] =	sst s10  }
0x38: {  	s10 =	sld [smem:$0x3FB2]  }
0x39: {  	_ = 	snop;
	(pc) =	sbr.ind lr, $3  }
0x3a: {  	_ = 	snop  }
0x3b: {  	_ = 	snop  }
0x3c: {  	p2 =	seq.s32 s10, $0x1;
	s10 =	sld [smem:$0x3FB1]  }
0x3d: {  	_ =	shalt  }
0x3e: {  	_ =	shalt  }
0x3f: {  	_ =	shalt  }
0x40: {  	_ =	shalt  }
0x41: {  	_ =	shalt  }
0x42: {  	_ =	shalt  }
0x43: {  	_ =	shalt  }
0x44: {  	_ =	shalt  }
0x45: {  	_ =	shalt  }
0x46: {  	_ =	shalt  }
0x47: {  	_ =	shalt  }
0x48: {  	_ =	shalt  }
0x49: {  	_ =	shalt  }
0x4a: {  	_ =	shalt  }
0x4b: {  	_ =	shalt  }
0x4c: {  	_ =	shalt  }
0x4d: {  	_ =	shalt  }
0x4e: {  	_ =	shalt  }
0x4f: {  	_ =	shalt  }
0x50: {  	_ =	shalt  }
0x51: {  	_ =	shalt  }
0x52: {  	_ =	shalt  }
0x53: {  	_ =	shalt  }
0x54: {  	_ =	shalt  }
0x55: {  	_ =	shalt  }
0x56: {  	_ =	shalt  }
0x57: {  	_ =	shalt  }
0x58: {  	_ =	shalt  }
0x59: {  	_ =	shalt  }
0x5a: {  	_ =	shalt  }
0x5b: {  	_ =	shalt  }
0x5c: {  	_ =	shalt  }
0x5d: {  	_ =	shalt  }
0x5e: {  	_ =	shalt  }
0x5f: {  	_ =	shalt  }
0x60: {  	_ =	shalt  }
0x61: {  	_ =	shalt  }
0x62: {  	_ =	shalt  }
0x63: {  	_ =	shalt  }
0x64: {  	_ =	shalt  }
0x65: {  	_ =	shalt  }
0x66: {  	_ =	shalt  }
0x67: {  	_ =	shalt  }
0x68: {  	_ =	shalt  }
0x69: {  	_ =	shalt  }
0x6a: {  	_ =	shalt  }
0x6b: {  	_ =	shalt  }
0x6c: {  	_ =	shalt  }
0x6d: {  	_ =	shalt  }
0x6e: {  	_ =	shalt  }
0x6f: {  	_ =	shalt  }
0x70: {  	_ =	shalt  }
0x71: {  	_ =	shalt  }
0x72: {  	_ =	shalt  }
0x73: {  	_ =	shalt  }
0x74: {  	_ =	shalt  }
0x75: {  	_ =	shalt  }
0x76: {  	_ =	shalt  }
0x77: {  	_ =	shalt  }
0x78: {  	_ =	shalt  }
0x79: {  	_ =	shalt  }
0x7a: {  	_ =	shalt  }
0x7b: {  	_ =	shalt  }
0x7c: {  	_ =	shalt  }
0x7d: {  	_ =	shalt  }
0x7e: {  	_ =	shalt  }
0x7f: {  	_ =	shalt  }
0x80: {  	_ =	shalt  }
0x81: {  	_ =	shalt  }
0x82: {  	_ =	shalt  }
0x83: {  	_ =	shalt  }
0x84: {  	_ =	shalt  }
0x85: {  	_ =	shalt  }
0x86: {  	_ =	shalt  }
0x87: {  	_ =	shalt  }
.Lfunc_end0:
.L_simem_size_0:
called_computation_lowered:
.L_overlay_start_0:
0x88: {  	s2 =	sld [smem:$0x3FD9]  }
0x89: {  	s3 =	sld [smem:$0x3FFE];
	_ =	sdelay $0x1  }
0x8a: {  	s1 =	srdreg.scid  }
0x8b: {  	s0 =	sand.u32 $0x1, s1  }
0x8c: {  	s17 =	sshll.u32 s0, $0xA;
	s2 =	sadd.s32 s3, s2  }
0x8d: {  	s2 =	sadd.s32 s2, s17  }
0x8e: {  	[smem:$0x3FBD] =	sst s2  }
0x8f: {  	_ = 	snop  }
0x90: {  	s2 =	sld [smem:$0x3FC9]  }
0x91: {  	s18 =	sld [smem:$0x3FD0];
	(tm) =	ssettm $0x1  }
0x92: {  	s4 =	sld [smem:$0x3FFB];
	_ =	sdelay $0x3  }
0x93: {  	_ =	strace s4  }
0x94: {  	s4 =	sld [smem:$0x3FFC];
	_ =	sdelay $0x3  }
0x95: {  	_ =	strace s4  }
0x96: {  	s4 =	sld [smem:$0x3FFD];
	_ =	sdelay $0x3  }
0x97: {  	_ =	strace s4  }
0x98: {  	_ =	strace $0x8FFFFFFF  }
0x99: {  	s19 =	sld [smem:$0x3FDB];
	_ =	sdelay $0x1  }
0x9a: {  	s5 =	simm.s32 $_scs_section_size  }
0x9b: {  	s6 =	simm.s32 $_size__tile_overlayer_lowered;
	s7 =	simm.s32 $_tile_overlayer_lowered  }
0x9c: {  	s22 =	simm.s32 $0x1BFF;
	s21 =	sshll.u32 s7, $0x1;
	s4 =	sadd.s32 s5, s19  }
0x9d: {  	s8 =	simm.s32 $0x0;
	s20 =	sshll.u32 s6, $0x1;
	s6 =	sadd.s32 s21, s4  }
0x9e: {  	[timem:s8], [sflag:s22] =	dma.local [hbm:s6], s20  }
0x9f: {  	_ =	swait.ge [sflag:s22], s20  }
0xa0: {  	s5 =	ssub.s32 $0x0, s20;
	[sflag:s22] =	ssyncset.done $0x0  }
0xa1: {  	[sflag:s22] =	ssyncadd.s32 s5;
	_ =	sdelay $0x1  }
0xa2: {  	s23 =	simm.s32 $0x1B8B  }
0xa3: {  	_ =	swait.ge [sflag:s23], $0x1  }
0xa4: {  	[sflag:s23] =	ssyncset.done $0x0  }
0xa5: {  	s25 =	simm.s32 $0x1B8E;
	s24 =	sld [smem:$0x3FFE];
	[sflag:s23] =	ssyncadd.s32 $0xFFFFFFFF  }
0xa6: {  	s26 =	simm.s32 $execute0_lowered;
	[smem:$0x3FD2] =	sst s25  }
0xa7: {  	s6 =	sshll.u32 s26, $0x1;
	_ =	strace $0x80000046;
	[dreg:$0x1] =	wrdreg $0xFFFFFFFF  }
0xa8: {  	s28 =	simm.s32 $_size_execute0_lowered;
	s4 =	sadd.s32 s4, s6;
	[dreg:$0x0] =	wrdreg $0x0  }
0xa9: {  	s6 =	sshll.u32 s28, $0x1;
	[dreg:$0x2] =	wrdreg s4  }
0xaa: {  	[dreg:$0x3] =	wrdreg s6  }
0xab: {  	[dreg:$0x4] =	wrdreg $0xC0  }
0xac: {  	_ =	task [dreg:s8], $0x5FFFF  }
0xad: {  	[dreg:$0x1] =	wrdreg $0xFFFFFFFF  }
0xae: {  	[dreg:$0x0] =	wrdreg $0x60  }
0xaf: {  	[dreg:$0x2] =	wrdreg s24  }
0xb0: {  	[dreg:$0x3] =	wrdreg s18  }
0xb1: {  	[dreg:$0x4] =	wrdreg s2  }
0xb2: {  	[dreg:$0x5] =	wrdreg $0x0  }
0xb3: {  	[dreg:$0x6] =	wrdreg $0x9  }
0xb4: {  	_ =	task.clear_ibuf [dreg:s8], $0x7FFFF;
	_ =	strace $0x90000046  }
0xb5: {  	s29 =	simm.s32 $0x9;
	_ =	strace $0x80000048  }
0xb6: {  	_ =	swait.ge [sflag:s29], $0x1  }
0xb7: {  	[sflag:s29] =	ssyncadd.s32 $0xFFFFFFFF  }
0xb8: {  	_ =	strace $0x90000048  }
0xb9: {  	_ =	sfence  }
0xba: {  	s30 =	sld [smem:$0x0];
	_ =	sdelay $0x2  }
0xbb: {  	s31 =	sshll.u32 s1, $0xD;
	s1 =	sshrl.u32 s1, $0x2  }
0xbc: {  	s3 =	sand.u32 $0x4000, s31;
	s1 =	sadd.s32 s1, s30  }
0xbd: {  	s0 =	sor.u32 s3, s0;
	s1 =	sshll.u32 s1, $0x11  }
0xbe: {  	s0 =	sor.u32 s1, s0  }
0xbf: {  	s0 =	sadd.s32 $0x8F2B, s0  }
0xc0: {  	[sflag:s0] =	ssyncadd.remote.s32 $0x1  }
0xc1: {  	_ =	sfence.sel $0xFFFF  }
0xc2: {  	[dreg:$0x0] =	wrdreg $0xFFFFFFFF;
	(pc) =	sbr.abs _section_cstart, $3  }
0xc3: {  	[dreg:$0x1] =	wrdreg $0xFFFFFFFF  }
0xc4: {  	_ =	task.clear_ibuf [dreg:s8], $0x2FFFF;
	_ =	strace $0x9FFFFFFF  }
0xc5: {  	(tm) =	ssettm $0x7FFFFFFF  }
tec
execute0_lowered:
.L_overlay_start_1:
0x0: {  	(tag) =	ssettag $0x1  }
0x1: {  	s0 =	rddreg [dreg:$0x0]  }
0x2: {  	s1 =	rddreg [dreg:$0x1]  }
0x3: {  	s2 =	srdreg.scid;
	s3 =	rddreg [dreg:$0x2]  }
0x4: {  	s10 =	stileid.u32;
	s4 =	rddreg [dreg:$0x3]  }
0x5: {  	s5 =	simm.s32 $0x0;
	s28 =	simm.s32 $0x1;
	s29 =	simm.s32 $0x50  }
0x6: {  	s30 =	simm.s32 $0x14100;
	s31 =	simm.s32 $0x15600;
	s13 =	simm.s32 $0x4  }
0x7: {  	s14 =	simm.s32 $0x6;
	s2 =	sand.u32 $0x1, s2;
	s7 =	smul.u32 $0x14000, s10  }
0x8: {  	[smem:$0x7FF] =	sst s5;
	s8 =	smul.u32 $0x50000, s10;
	s10 =	sshll.u32 s10, $0x1  }
0x9: {  	s6 =	smul.u32 $0x140000, s2;
	s15 =	ssub.s32 $0x2, s2;
	s2 =	sor.u32 s2, s10  }
0xa: {  	_ =	strace $0x80000047;
	s9 =	sshrl.u32 s15, $0x1;
	s10 =	smul.u32 $0x7D00, s2  }
0xb: {  	s8 =	sshrl.u32 s8, $0x2;
	s19 =	smul.u32 $0x9C400, s2;
	s6 =	sadd.s32 s7, s6  }
0xc: {  	s12 =	smul.u32 $0x13880, s2;
	s9 =	ssub.s32 s15, s9;
	s7 =	sshrl.u32 s6, $0x3  }
0xd: {  	s6 =	sadd.s32 $0x1C00, s0;
	s26 =	smax.u32 s9, $0x1;
	s0 =	sadd.s32 s7, s0  }
0xe: {  	s7 =	sadd.s32 s8, s4;
	s24 =	sadd.s32 s6, s12;
	[dreg:$0x11] =	wrdreg s26  }
0xf: {  	s15 =	simm.s32 $0x1BB80;
	s8 =	sadd.s32 $0x2800, s7;
	[dreg:$0xd] =	wrdreg s24  }
0x10: {  	s22 =	sshrl.u32 s10, $0x3;
	s16 =	sadd.s32 $0x5000, s7;
	[dreg:$0x5] =	wrdreg s8  }
0x11: {  	s9 =	simm.s32 $0x5;
	s17 =	sadd.s32 $0x7800, s7;
	[dreg:$0x6] =	wrdreg s16  }
0x12: {  	s26 =	simm.s32 $0x14200;
	s18 =	sadd.s32 $0xA000, s7;
	[dreg:$0x7] =	wrdreg s17  }
0x13: {  	s12 =	simm.s32 $0x7;
	s11 =	sadd.s32 $0xC800, s7;
	[dreg:$0x8] =	wrdreg s18  }
0x14: {  	s20 =	sadd.s32 $0xF000, s7;
	s21 =	sadd.s32 $0x11800, s7;
	[dreg:$0x9] =	wrdreg s11  }
0x15: {  	s0 =	sadd.s32 $0x272C00, s0;
	s24 =	simm.s32 $0x9;
	[dreg:$0xa] =	wrdreg s20  }
0x16: {  	[dreg:$0xb] =	wrdreg s21;
	s8 =	sshrl.u32 s19, $0x3;
	s16 =	smul.u32 $0x1388, s2  }
0x17: {  	s11 =	sadd.s32 s1, s22;
	[dreg:$0x10] =	wrdreg s0;
	s0 =	simm.s32 $0x19200  }
0x18: {  	s19 =	simm.s32 $0x0;
	s23 =	sadd.s32 s6, s8;
	[dreg:$0xc] =	wrdreg s11  }
0x19: {  	s25 =	sadd.s32 $0x20, s11;
	s8 =	simm.s32 $0x3;
	s11 =	simm.s32 $0x1BA80  }
0x1a: {  	[dreg:$0xe] =	wrdreg s25;
	s2 =	sadd.s32 $0x280, s23;
	s23 =	simm.s32 $0x16A00  }
0x1b: {  	v0 =	vimm.f32 $0.0e+00;
	s25 =	simm.s32 $0x14000;
	[dreg:$0xf] =	wrdreg s2;
	s2 =	simm.s32 $0x2  }
.LBB2_1:
0x1c: {  	s17 =	simm.s32 $0x0;
	s20 =	simm.s32 $0x200  }
.LBB2_2:
0x1d: {  	p0 =	sne.s32 s20, $0x9E00;
	[tilespmem:s17+$0x16A70] =	vst v0  }
0x1e: {  	[tilespmem:s17+$0x16A00] =	vst v0  }
0x1f: {  	[tilespmem:s17+$0x16A10] =	vst v0  }
.Ltmp0:
0x20: {  	[tilespmem:s17+$0x16A20] =	vst v0;
	(pc) =	sbr.rel @p0 .LBB2_2-.Ltmp0, $4  }
0x21: {  	[tilespmem:s17+$0x16A30] =	vst v0  }
0x22: {  	[tilespmem:s17+$0x16A40] =	vst v0  }
0x23: {  	[tilespmem:s17+$0x16A50] =	vst v0  }
0x24: {  	[tilespmem:s17+$0x16A60] =	vst v0;
	s17 =	sshra.s32 s20, $0x2;
	s20 =	sadd.s32 $0x200, s20  }
0x25: {  	[tilespmem:s17+$0x16A70] =	vst v0  }
0x26: {  	[tilespmem:s17+$0x16A00] =	vst v0  }
0x27: {  	[tilespmem:s17+$0x16A10] =	vst v0  }
0x28: {  	[tilespmem:s17+$0x16A20] =	vst v0  }
0x29: {  	[tilespmem:s17+$0x16A30] =	vst v0  }
0x2a: {  	[tilespmem:s17+$0x16A40] =	vst v0  }
0x2b: {  	[tilespmem:s17+$0x16A50] =	vst v0  }
0x2c: {  	[tilespmem:s17+$0x16A60] =	vst v0  }
0x2d: {  	[spmem:s7] =	stream.linear.scatter [tilespmem:s23], [sflag:$0x9], $0x2800, $0x38;
	[tilespmem:$0x1BC00] =	vst v63  }
0x2e: {  	_ =	swait.ge [sflag:s24], $0x2800  }
0x2f: {  	[sflag:s24] =	ssyncset.done $0x0  }
0x30: {  	s18 =	rddreg [dreg:$0x5];
	[sflag:s24] =	ssyncadd.s32 $0xFFFFD800  }
0x31: {  	[spmem:s18] =	stream.linear.scatter [tilespmem:s23], [sflag:$0x9], $0x2800, $0x38;
	[tilespmem:$0x1BC00] =	vst v63  }
0x32: {  	_ =	swait.ge [sflag:s24], $0x2800  }
0x33: {  	[sflag:s24] =	ssyncset.done $0x0  }
0x34: {  	s20 =	rddreg [dreg:$0x6];
	[sflag:s24] =	ssyncadd.s32 $0xFFFFD800  }
0x35: {  	[spmem:s20] =	stream.linear.scatter [tilespmem:s23], [sflag:$0x9], $0x2800, $0x38;
	[tilespmem:$0x1BC00] =	vst v63  }
0x36: {  	_ =	swait.ge [sflag:s24], $0x2800  }
0x37: {  	[sflag:s24] =	ssyncset.done $0x0  }
0x38: {  	s21 =	rddreg [dreg:$0x7];
	[sflag:s24] =	ssyncadd.s32 $0xFFFFD800  }
0x39: {  	[spmem:s21] =	stream.linear.scatter [tilespmem:s23], [sflag:$0x9], $0x2800, $0x38;
	[tilespmem:$0x1BC00] =	vst v63  }
0x3a: {  	_ =	swait.ge [sflag:s24], $0x2800  }
0x3b: {  	[sflag:s24] =	ssyncset.done $0x0  }
0x3c: {  	s22 =	rddreg [dreg:$0x8];
	[sflag:s24] =	ssyncadd.s32 $0xFFFFD800  }
0x3d: {  	[spmem:s22] =	stream.linear.scatter [tilespmem:s23], [sflag:$0x9], $0x2800, $0x38;
	[tilespmem:$0x1BC00] =	vst v63  }
0x3e: {  	_ =	swait.ge [sflag:s24], $0x2800  }
0x3f: {  	[sflag:s24] =	ssyncset.done $0x0  }
0x40: {  	s18 =	rddreg [dreg:$0x9];
	[sflag:s24] =	ssyncadd.s32 $0xFFFFD800  }
0x41: {  	[spmem:s18] =	stream.linear.scatter [tilespmem:s23], [sflag:$0x9], $0x2800, $0x38;
	[tilespmem:$0x1BC00] =	vst v63  }
0x42: {  	_ =	swait.ge [sflag:s24], $0x2800  }
0x43: {  	[sflag:s24] =	ssyncset.done $0x0  }
0x44: {  	s20 =	rddreg [dreg:$0xa];
	[sflag:s24] =	ssyncadd.s32 $0xFFFFD800  }
0x45: {  	[spmem:s20] =	stream.linear.scatter [tilespmem:s23], [sflag:$0x9], $0x2800, $0x38;
	[tilespmem:$0x1BC00] =	vst v63  }
0x46: {  	_ =	swait.ge [sflag:s24], $0x2800  }
0x47: {  	[sflag:s24] =	ssyncset.done $0x0  }
0x48: {  	s21 =	rddreg [dreg:$0xb];
	[sflag:s24] =	ssyncadd.s32 $0xFFFFD800  }
0x49: {  	[spmem:s21] =	stream.linear.scatter [tilespmem:s23], [sflag:$0x9], $0x2800, $0x38;
	[tilespmem:$0x1BC00] =	vst v63  }
0x4a: {  	_ =	swait.ge [sflag:s24], $0x2800  }
0x4b: {  	[sflag:s24] =	ssyncset.done $0x0  }
0x4c: {  	[sflag:s24] =	ssyncadd.s32 $0xFFFFD800  }
0x4d: {  	[bflag:$0x0] =	sbarrier.arrive $0xFFFF  }
0x4e: {  	s20 =	simm.s32 $0x0;
	s22 =	rddreg [dreg:$0xc]  }
0x4f: {  	[tilespmem:s25], [sflag:$0x1] =	stream.linear.gather [hbm4b:s22+s20], $0x100, $0x38;
	[tilespmem:$0x1BC00] =	vst v63  }
0x50: {  	s18 =	rddreg [dreg:$0xd]  }
0x51: {  	[tilespmem:s26], [sflag:$0x3] =	stream.linear.gather [hbm4b:s18+s20], $0x1400, $0x38;
	[tilespmem:$0x1BC00] =	vst v63  }
0x52: {  	_ =	swait.ge [sflag:s28], $0x100  }
0x53: {  	[sflag:s28] =	ssyncset.done $0x0  }
0x54: {  	[sflag:s28] =	ssyncadd.s32 $0xFFFFFF00  }
0x55: {  	[tilespmem:s23], [sflag:$0x5] =	stream.indirect.gather [hbm4b:s3+s29], $0x80, s25, s29, $0xb8;
	[tilespmem:$0x1BC00] =	vst v63  }
0x56: {  	s21 =	rddreg [dreg:$0xe]  }
0x57: {  	[tilespmem:s30], [sflag:$0x2] =	stream.linear.gather [hbm4b:s21+s20], $0x100, $0x38;
	[tilespmem:$0x1BC00] =	vst v63  }
0x58: {  	s22 =	rddreg [dreg:$0xf]  }
0x59: {  	[tilespmem:s31], [sflag:$0x4] =	stream.linear.gather [hbm4b:s22+s20], $0x1400, $0x38;
	[tilespmem:$0x1BC00] =	vst v63  }
.LBB2_4:
0x5a: {  	p0 =	seq.s32 s20, $0x0  }
0x5b: {  	s17 =	simm.s32 @!p0 $0x8  }
0x5c: {  	_ =	swait.ge @!p0 [sflag:s17], $0x2800  }
0x5d: {  	[sflag:s17] =	ssyncset.done @!p0 $0x0  }
0x5e: {  	[sflag:s17] =	ssyncadd.s32 @!p0 $0xFFFFD800  }
0x5f: {  	_ =	swait.ge [sflag:s2], $0x100  }
0x60: {  	[sflag:s2] =	ssyncset.done $0x0  }
0x61: {  	[sflag:s2] =	ssyncadd.s32 $0xFFFFFF00  }
0x62: {  	[tilespmem:s0], [sflag:$0x6] =	stream.indirect.gather [hbm4b:s3+s29], $0x80, s30, s29, $0xb8;
	[tilespmem:$0x1BC00] =	vst v63  }
0x63: {  	_ =	swait.ge [sflag:s8], $0x1400  }
0x64: {  	[sflag:s8] =	ssyncset.done $0x0  }
0x65: {  	[sflag:s8] =	ssyncadd.s32 $0xFFFFEC00  }
0x66: {  	_ =	swait.ge [sflag:s9], $0x2800  }
0x67: {  	[sflag:s9] =	ssyncset.done $0x0  }
0x68: {  	s22 =	simm.s32 $0x0;
	[sflag:s9] =	ssyncadd.s32 $0xFFFFD800  }
0x69: {  	v4 =	vld [tilespmem:s22+$0x14200]  }
0x6a: {  	v5 =	vld [tilespmem:s22+$0x14210]  }
0x6b: {  	v6 =	vld [tilespmem:s22+$0x14220]  }
0x6c: {  	v8 =	vld [tilespmem:s22+$0x14230]  }
0x6d: {  	v9 =	vld [tilespmem:s22+$0x14240]  }
0x6e: {  	v3 =	vld [tilespmem:s22+$0x14250]  }
0x6f: {  	v7 =	vld [tilespmem:s22+$0x16A00]  }
0x70: {  	v10 =	vld [tilespmem:s22+$0x16A10]  }
0x71: {  	v2 =	vld [tilespmem:s22+$0x14260]  }
0x72: {  	v11 =	vld [tilespmem:s22+$0x16A20]  }
0x73: {  	v12 =	vld [tilespmem:s22+$0x16A30];
	v13 =	vshll.u32 v4, $0x10  }
0x74: {  	v14 =	vld [tilespmem:s22+$0x16A40];
	v4 =	vand.u32 $0xFFFF0000, v4;
	v7 =	vmul.f32 v13, v7  }
0x75: {  	v1 =	vld [tilespmem:s22+$0x14270];
	v4 =	vmul.f32 v4, v10  }
0x76: {  	v62 =	vld [tilespmem:s22+$0x16A50];
	[tilespmem:s22+$0x16A00] =	vst v7;
	v7 =	vshll.u32 v5, $0x10  }
0x77: {  	v15 =	vld [tilespmem:s22+$0x16A60];
	[tilespmem:s22+$0x16A10] =	vst v4;
	v4 =	vand.u32 $0xFFFF0000, v5;
	v7 =	vmul.f32 v7, v11  }
0x78: {  	v10 =	vld [tilespmem:s22+$0x16A70];
	v5 =	vshll.u32 v6, $0x10;
	v4 =	vmul.f32 v4, v12  }
0x79: {  	v16 =	vld [tilespmem:s22+$0x17E00];
	v11 =	vmul.f32 v5, v14;
	[tilespmem:s22+$0x16A20] =	vst v7  }
0x7a: {  	v7 =	vld [tilespmem:s22+$0x17E10];
	[tilespmem:s22+$0x16A30] =	vst v4;
	v4 =	vand.u32 $0xFFFF0000, v6  }
0x7b: {  	v5 =	vld [tilespmem:s22+$0x17E20];
	[tilespmem:s22+$0x16A40] =	vst v11;
	v11 =	vshll.u32 v8, $0x10;
	v4 =	vmul.f32 v4, v62  }
0x7c: {  	v6 =	vld [tilespmem:s22+$0x17E30];
	v8 =	vand.u32 $0xFFFF0000, v8;
	v11 =	vmul.f32 v11, v15  }
0x7d: {  	v63 =	vshll.u32 v9, $0x10;
	v10 =	vmul.f32 v8, v10;
	[tilespmem:s22+$0x16A50] =	vst v4;
	v4 =	vld [tilespmem:s22+$0x17E40]  }
0x7e: {  	s21 =	sshll.u32 s20, $0x1;
	s17 =	simm.s32 $0x200;
	v8 =	vld [tilespmem:s22+$0x17E50];
	[tilespmem:s22+$0x16A60] =	vst v11;
	v11 =	vand.u32 $0xFFFF0000, v9;
	v9 =	vmul.f32 v63, v16  }
.LBB2_5:
0x7f: {  	p0 =	sne.s32 s17, $0x4E00;
	[tilespmem:s22+$0x16A70] =	vst v10;
	v7 =	vmul.f32 v11, v7;
	v10 =	vshll.u32 v3, $0x10;
	v11 =	vld [tilespmem:s22+$0x17E60]  }
0x80: {  	s18 =	sshra.s32 s17, $0x2;
	v3 =	vand.u32 $0xFFFF0000, v3;
	[tilespmem:s22+$0x17E00] =	vst v9;
	v5 =	vmul.f32 v10, v5;
	v9 =	vld [tilespmem:s22+$0x17E70]  }
0x81: {  	v10 =	vld [tilespmem:s18+$0x14200];
	[tilespmem:s22+$0x17E10] =	vst v7;
	v3 =	vmul.f32 v3, v6;
	v6 =	vshll.u32 v2, $0x10  }
0x82: {  	v2 =	vand.u32 $0xFFFF0000, v2;
	v7 =	vld [tilespmem:s18+$0x14210];
	[tilespmem:s22+$0x17E20] =	vst v5;
	v4 =	vmul.f32 v6, v4  }
0x83: {  	v5 =	vld [tilespmem:s18+$0x14220];
	[tilespmem:s22+$0x17E30] =	vst v3;
	v2 =	vmul.f32 v2, v8;
	v3 =	vshll.u32 v1, $0x10  }
0x84: {  	v1 =	vand.u32 $0xFFFF0000, v1;
	v6 =	vld [tilespmem:s18+$0x14230];
	[tilespmem:s22+$0x17E40] =	vst v4;
	v4 =	vmul.f32 v3, v11  }
0x85: {  	v8 =	vld [tilespmem:s18+$0x14240];
	[tilespmem:s22+$0x17E50] =	vst v2;
	v1 =	vmul.f32 v1, v9  }
0x86: {  	v3 =	vld [tilespmem:s18+$0x14250];
	[tilespmem:s22+$0x17E60] =	vst v4  }
0x87: {  	v2 =	vld [tilespmem:s18+$0x14260];
	[tilespmem:s22+$0x17E70] =	vst v1;
	s22 =	smov.u32 s18  }
0x88: {  	v1 =	vld [tilespmem:s22+$0x14270]  }
0x89: {  	v4 =	vld [tilespmem:s22+$0x16A00]  }
0x8a: {  	v9 =	vld [tilespmem:s22+$0x16A10]  }
0x8b: {  	v11 =	vld [tilespmem:s22+$0x16A20]  }
0x8c: {  	v12 =	vld [tilespmem:s22+$0x16A30]  }
0x8d: {  	v13 =	vshll.u32 v10, $0x10;
	v14 =	vld [tilespmem:s22+$0x16A40]  }
0x8e: {  	v10 =	vand.u32 $0xFFFF0000, v10;
	v4 =	vmul.f32 v13, v4;
	v13 =	vld [tilespmem:s22+$0x16A50]  }
0x8f: {  	v9 =	vmul.f32 v10, v9;
	v10 =	vshll.u32 v7, $0x10;
	v15 =	vld [tilespmem:s22+$0x16A60]  }
0x90: {  	[tilespmem:s22+$0x16A00] =	vst v4;
	v4 =	vand.u32 $0xFFFF0000, v7;
	v7 =	vmul.f32 v10, v11;
	v10 =	vld [tilespmem:s22+$0x16A70]  }
0x91: {  	[tilespmem:s22+$0x16A10] =	vst v9;
	v4 =	vmul.f32 v4, v12;
	v9 =	vshll.u32 v5, $0x10;
	v12 =	vld [tilespmem:s22+$0x17E00]  }
.Ltmp1:
0x92: {  	v5 =	vand.u32 $0xFFFF0000, v5;
	[tilespmem:s22+$0x16A20] =	vst v7;
	v9 =	vmul.f32 v9, v14;
	v7 =	vld [tilespmem:s22+$0x17E10];
	(pc) =	sbr.rel @p0 .LBB2_5-.Ltmp1, $4  }
0x93: {  	v11 =	vshll.u32 v6, $0x10;
	[tilespmem:s22+$0x16A30] =	vst v4;
	v4 =	vmul.f32 v5, v13;
	v5 =	vld [tilespmem:s22+$0x17E20]  }
0x94: {  	[tilespmem:s22+$0x16A40] =	vst v9;
	v9 =	vand.u32 $0xFFFF0000, v6;
	v11 =	vmul.f32 v11, v15;
	v6 =	vld [tilespmem:s22+$0x17E30]  }
0x95: {  	[tilespmem:s22+$0x16A50] =	vst v4;
	v10 =	vmul.f32 v9, v10;
	v9 =	vshll.u32 v8, $0x10;
	v4 =	vld [tilespmem:s22+$0x17E40]  }
0x96: {  	s17 =	sadd.s32 $0x200, s17;
	[tilespmem:s22+$0x16A60] =	vst v11;
	v11 =	vand.u32 $0xFFFF0000, v8;
	v9 =	vmul.f32 v9, v12;
	v8 =	vld [tilespmem:s22+$0x17E50]  }
0x97: {  	[tilespmem:s22+$0x16A70] =	vst v10;
	v10 =	vld [tilespmem:s22+$0x17E60];
	v7 =	vmul.f32 v11, v7;
	v11 =	vshll.u32 v3, $0x10  }
0x98: {  	v3 =	vand.u32 $0xFFFF0000, v3;
	[tilespmem:s22+$0x17E00] =	vst v9;
	v5 =	vmul.f32 v11, v5;
	v9 =	vld [tilespmem:s22+$0x17E70]  }
0x99: {  	[tilespmem:s22+$0x17E10] =	vst v7;
	v3 =	vmul.f32 v3, v6;
	v6 =	vshll.u32 v2, $0x10  }
0x9a: {  	v2 =	vand.u32 $0xFFFF0000, v2;
	[tilespmem:s22+$0x17E20] =	vst v5;
	v4 =	vmul.f32 v6, v4  }
0x9b: {  	[tilespmem:s22+$0x17E30] =	vst v3;
	v2 =	vmul.f32 v2, v8;
	v3 =	vshll.u32 v1, $0x10  }
0x9c: {  	v1 =	vand.u32 $0xFFFF0000, v1;
	[tilespmem:s22+$0x17E40] =	vst v4;
	v3 =	vmul.f32 v3, v10  }
0x9d: {  	[tilespmem:s22+$0x17E50] =	vst v2;
	v1 =	vmul.f32 v1, v9  }
0x9e: {  	[tilespmem:s22+$0x17E60] =	vst v3  }
0x9f: {  	[tilespmem:s22+$0x17E70] =	vst v1  }
0xa0: {  	v1 =	vld [tilespmem:$0x14080]  }
0xa1: {  	v2 =	vld [tilespmem:$0x14090]  }
0xa2: {  	v3 =	vld [tilespmem:$0x140A0]  }
0xa3: {  	v4 =	vld [tilespmem:$0x140B0]  }
0xa4: {  	v5 =	vld [tilespmem:$0x140C0]  }
0xa5: {  	[tilespmem:$0x1BA80] =	vst v1  }
0xa6: {  	s17 =	sadd.s32 $0x2, s21;
	[tilespmem:$0x1BA90] =	vst v2  }
0xa7: {  	s18 =	sshll.u32 s17, $0x8;
	s17 =	smul.u32 $0x28, s17;
	[tilespmem:$0x1BAA0] =	vst v3  }
0xa8: {  	s18 =	sadd.s32 s10, s18;
	[tilespmem:$0x1BAB0] =	vst v4  }
0xa9: {  	s18 =	sshrl.u32 s18, $0x3;
	s17 =	sadd.s32 s16, s17;
	[tilespmem:$0x1BAC0] =	vst v5  }
0xaa: {  	[spmem:s4] =	stream.indirect.scatter.add.f32 [tilespmem:s23], [sflag:$0x7], $0x80, s11, s29, $0xb8;
	[tilespmem:$0x1BC00] =	vst v63  }
0xab: {  	s18 =	sadd.s32 s1, s18;
	s17 =	sshll.u32 s17, $0x4;
	s22 =	simm.s32 $0x0  }
0xac: {  	[tilespmem:s25], [sflag:$0x1] =	stream.linear.gather [hbm4b:s18+s22], $0x100, $0x38;
	[tilespmem:$0x1BC00] =	vst v63  }
0xad: {  	s17 =	sadd.s32 s6, s17  }
0xae: {  	[tilespmem:s26], [sflag:$0x3] =	stream.linear.gather [hbm4b:s17+s22], $0x1400, $0x38;
	[tilespmem:$0x1BC00] =	vst v63  }
0xaf: {  	_ =	swait.ge [sflag:s12], $0x2800  }
0xb0: {  	[sflag:s12] =	ssyncset.done $0x0  }
0xb1: {  	[sflag:s12] =	ssyncadd.s32 $0xFFFFD800  }
0xb2: {  	_ =	swait.ge [sflag:s28], $0x100  }
0xb3: {  	[sflag:s28] =	ssyncset.done $0x0  }
0xb4: {  	[sflag:s28] =	ssyncadd.s32 $0xFFFFFF00  }
0xb5: {  	[tilespmem:s23], [sflag:$0x5] =	stream.indirect.gather [hbm4b:s3+s29], $0x80, s25, s29, $0xb8;
	[tilespmem:$0x1BC00] =	vst v63  }
0xb6: {  	_ =	swait.ge [sflag:s13], $0x1400  }
0xb7: {  	[sflag:s13] =	ssyncset.done $0x0  }
0xb8: {  	[sflag:s13] =	ssyncadd.s32 $0xFFFFEC00  }
0xb9: {  	_ =	swait.ge [sflag:s14], $0x2800  }
0xba: {  	[sflag:s14] =	ssyncset.done $0x0  }
0xbb: {  	s22 =	simm.s32 $0x0;
	[sflag:s14] =	ssyncadd.s32 $0xFFFFD800  }
0xbc: {  	v4 =	vld [tilespmem:s22+$0x15600]  }
0xbd: {  	v5 =	vld [tilespmem:s22+$0x15610]  }
0xbe: {  	v6 =	vld [tilespmem:s22+$0x15620]  }
0xbf: {  	v8 =	vld [tilespmem:s22+$0x15630]  }
0xc0: {  	v9 =	vld [tilespmem:s22+$0x15640]  }
0xc1: {  	v3 =	vld [tilespmem:s22+$0x15650]  }
0xc2: {  	v7 =	vld [tilespmem:s22+$0x19200]  }
0xc3: {  	v10 =	vld [tilespmem:s22+$0x19210]  }
0xc4: {  	v2 =	vld [tilespmem:s22+$0x15660]  }
0xc5: {  	v11 =	vld [tilespmem:s22+$0x19220]  }
0xc6: {  	v12 =	vld [tilespmem:s22+$0x19230];
	v13 =	vshll.u32 v4, $0x10  }
0xc7: {  	v14 =	vld [tilespmem:s22+$0x19240];
	v4 =	vand.u32 $0xFFFF0000, v4;
	v7 =	vmul.f32 v13, v7  }
0xc8: {  	v1 =	vld [tilespmem:s22+$0x15670];
	v4 =	vmul.f32 v4, v10  }
0xc9: {  	v62 =	vld [tilespmem:s22+$0x19250];
	[tilespmem:s22+$0x19200] =	vst v7;
	v7 =	vshll.u32 v5, $0x10  }
0xca: {  	v15 =	vld [tilespmem:s22+$0x19260];
	[tilespmem:s22+$0x19210] =	vst v4;
	v4 =	vand.u32 $0xFFFF0000, v5;
	v7 =	vmul.f32 v7, v11  }
0xcb: {  	v10 =	vld [tilespmem:s22+$0x19270];
	v5 =	vshll.u32 v6, $0x10;
	v4 =	vmul.f32 v4, v12  }
0xcc: {  	v16 =	vld [tilespmem:s22+$0x1A600];
	v11 =	vmul.f32 v5, v14;
	[tilespmem:s22+$0x19220] =	vst v7  }
0xcd: {  	v7 =	vld [tilespmem:s22+$0x1A610];
	[tilespmem:s22+$0x19230] =	vst v4;
	v4 =	vand.u32 $0xFFFF0000, v6  }
0xce: {  	v5 =	vld [tilespmem:s22+$0x1A620];
	[tilespmem:s22+$0x19240] =	vst v11;
	v11 =	vshll.u32 v8, $0x10;
	v4 =	vmul.f32 v4, v62  }
0xcf: {  	v6 =	vld [tilespmem:s22+$0x1A630];
	v8 =	vand.u32 $0xFFFF0000, v8;
	v11 =	vmul.f32 v11, v15  }
0xd0: {  	v63 =	vshll.u32 v9, $0x10;
	v10 =	vmul.f32 v8, v10;
	[tilespmem:s22+$0x19250] =	vst v4;
	v4 =	vld [tilespmem:s22+$0x1A640]  }
0xd1: {  	s17 =	simm.s32 $0x200;
	v8 =	vld [tilespmem:s22+$0x1A650];
	[tilespmem:s22+$0x19260] =	vst v11;
	v11 =	vand.u32 $0xFFFF0000, v9;
	v9 =	vmul.f32 v63, v16  }
.LBB2_7:
0xd2: {  	p0 =	sne.s32 s17, $0x4E00;
	[tilespmem:s22+$0x19270] =	vst v10;
	v7 =	vmul.f32 v11, v7;
	v10 =	vshll.u32 v3, $0x10;
	v11 =	vld [tilespmem:s22+$0x1A660]  }
0xd3: {  	s18 =	sshra.s32 s17, $0x2;
	v3 =	vand.u32 $0xFFFF0000, v3;
	[tilespmem:s22+$0x1A600] =	vst v9;
	v5 =	vmul.f32 v10, v5;
	v9 =	vld [tilespmem:s22+$0x1A670]  }
0xd4: {  	v10 =	vld [tilespmem:s18+$0x15600];
	[tilespmem:s22+$0x1A610] =	vst v7;
	v3 =	vmul.f32 v3, v6;
	v6 =	vshll.u32 v2, $0x10  }
0xd5: {  	v2 =	vand.u32 $0xFFFF0000, v2;
	v7 =	vld [tilespmem:s18+$0x15610];
	[tilespmem:s22+$0x1A620] =	vst v5;
	v4 =	vmul.f32 v6, v4  }
0xd6: {  	v5 =	vld [tilespmem:s18+$0x15620];
	[tilespmem:s22+$0x1A630] =	vst v3;
	v2 =	vmul.f32 v2, v8;
	v3 =	vshll.u32 v1, $0x10  }
0xd7: {  	v1 =	vand.u32 $0xFFFF0000, v1;
	v6 =	vld [tilespmem:s18+$0x15630];
	[tilespmem:s22+$0x1A640] =	vst v4;
	v4 =	vmul.f32 v3, v11  }
0xd8: {  	v8 =	vld [tilespmem:s18+$0x15640];
	[tilespmem:s22+$0x1A650] =	vst v2;
	v1 =	vmul.f32 v1, v9  }
0xd9: {  	v3 =	vld [tilespmem:s18+$0x15650];
	[tilespmem:s22+$0x1A660] =	vst v4  }
0xda: {  	v2 =	vld [tilespmem:s18+$0x15660];
	[tilespmem:s22+$0x1A670] =	vst v1;
	s22 =	smov.u32 s18  }
0xdb: {  	v1 =	vld [tilespmem:s22+$0x15670]  }
0xdc: {  	v4 =	vld [tilespmem:s22+$0x19200]  }
0xdd: {  	v9 =	vld [tilespmem:s22+$0x19210]  }
0xde: {  	v11 =	vld [tilespmem:s22+$0x19220]  }
0xdf: {  	v12 =	vld [tilespmem:s22+$0x19230]  }
0xe0: {  	v13 =	vshll.u32 v10, $0x10;
	v14 =	vld [tilespmem:s22+$0x19240]  }
0xe1: {  	v10 =	vand.u32 $0xFFFF0000, v10;
	v4 =	vmul.f32 v13, v4;
	v13 =	vld [tilespmem:s22+$0x19250]  }
0xe2: {  	v9 =	vmul.f32 v10, v9;
	v10 =	vshll.u32 v7, $0x10;
	v15 =	vld [tilespmem:s22+$0x19260]  }
0xe3: {  	[tilespmem:s22+$0x19200] =	vst v4;
	v4 =	vand.u32 $0xFFFF0000, v7;
	v7 =	vmul.f32 v10, v11;
	v10 =	vld [tilespmem:s22+$0x19270]  }
0xe4: {  	[tilespmem:s22+$0x19210] =	vst v9;
	v4 =	vmul.f32 v4, v12;
	v9 =	vshll.u32 v5, $0x10;
	v12 =	vld [tilespmem:s22+$0x1A600]  }
.Ltmp2:
0xe5: {  	v5 =	vand.u32 $0xFFFF0000, v5;
	[tilespmem:s22+$0x19220] =	vst v7;
	v9 =	vmul.f32 v9, v14;
	v7 =	vld [tilespmem:s22+$0x1A610];
	(pc) =	sbr.rel @p0 .LBB2_7-.Ltmp2, $4  }
0xe6: {  	v11 =	vshll.u32 v6, $0x10;
	[tilespmem:s22+$0x19230] =	vst v4;
	v4 =	vmul.f32 v5, v13;
	v5 =	vld [tilespmem:s22+$0x1A620]  }
0xe7: {  	[tilespmem:s22+$0x19240] =	vst v9;
	v9 =	vand.u32 $0xFFFF0000, v6;
	v11 =	vmul.f32 v11, v15;
	v6 =	vld [tilespmem:s22+$0x1A630]  }
0xe8: {  	[tilespmem:s22+$0x19250] =	vst v4;
	v10 =	vmul.f32 v9, v10;
	v9 =	vshll.u32 v8, $0x10;
	v4 =	vld [tilespmem:s22+$0x1A640]  }
0xe9: {  	s17 =	sadd.s32 $0x200, s17;
	[tilespmem:s22+$0x19260] =	vst v11;
	v11 =	vand.u32 $0xFFFF0000, v8;
	v9 =	vmul.f32 v9, v12;
	v8 =	vld [tilespmem:s22+$0x1A650]  }
0xea: {  	[tilespmem:s22+$0x19270] =	vst v10;
	v60 =	vld [tilespmem:s22+$0x1A660];
	v7 =	vmul.f32 v11, v7;
	v61 =	vshll.u32 v3, $0x10  }
0xeb: {  	v3 =	vand.u32 $0xFFFF0000, v3;
	v62 =	vld [tilespmem:s22+$0x1A670];
	[tilespmem:s22+$0x1A600] =	vst v9;
	v5 =	vmul.f32 v61, v5  }
0xec: {  	v63 =	vshll.u32 v2, $0x10;
	[tilespmem:s22+$0x1A610] =	vst v7;
	v3 =	vmul.f32 v3, v6  }
0xed: {  	v2 =	vand.u32 $0xFFFF0000, v2;
	[tilespmem:s22+$0x1A620] =	vst v5;
	v4 =	vmul.f32 v63, v4  }
0xee: {  	[tilespmem:s22+$0x1A630] =	vst v3;
	v2 =	vmul.f32 v2, v8;
	v3 =	vshll.u32 v1, $0x10  }
0xef: {  	v1 =	vand.u32 $0xFFFF0000, v1;
	[tilespmem:s22+$0x1A640] =	vst v4;
	v3 =	vmul.f32 v3, v60  }
0xf0: {  	v1 =	vmul.f32 v1, v62;
	[tilespmem:s22+$0x1A650] =	vst v2  }
0xf1: {  	[tilespmem:s22+$0x1A660] =	vst v3  }
0xf2: {  	[tilespmem:s22+$0x1A670] =	vst v1  }
0xf3: {  	v1 =	vld [tilespmem:$0x14180]  }
0xf4: {  	v2 =	vld [tilespmem:$0x14190]  }
0xf5: {  	v3 =	vld [tilespmem:$0x141A0]  }
0xf6: {  	v4 =	vld [tilespmem:$0x141B0]  }
0xf7: {  	v5 =	vld [tilespmem:$0x141C0]  }
0xf8: {  	p0 =	seq.s32 s20, $0x3D;
	[tilespmem:$0x1BB80] =	vst v1  }
.Ltmp3:
0xf9: {  	[tilespmem:$0x1BB90] =	vst v2;
	(pc) =	sbr.rel @p0 .LBB2_10-.Ltmp3, $4  }
0xfa: {  	[tilespmem:$0x1BBA0] =	vst v3  }
0xfb: {  	[tilespmem:$0x1BBB0] =	vst v4  }
0xfc: {  	[tilespmem:$0x1BBC0] =	vst v5  }
0xfd: {  	[spmem:s4] =	stream.indirect.scatter.add.f32 [tilespmem:s0], [sflag:$0x8], $0x80, s15, s29, $0xb8;
	[tilespmem:$0x1BC00] =	vst v63  }
0xfe: {  	s17 =	sadd.s32 $0x3, s21  }
0xff: {  	s18 =	sshll.u32 s17, $0x8;
	s17 =	smul.u32 $0x28, s17  }
0x100: {  	s18 =	sadd.s32 s10, s18  }
.Ltmp4:
0x101: {  	s18 =	sshrl.u32 s18, $0x3;
	s17 =	sadd.s32 s16, s17;
	(pc) =	sbr.rel .LBB2_4-.Ltmp4, $4  }
0x102: {  	s18 =	sadd.s32 s1, s18;
	s17 =	sshll.u32 s17, $0x4  }
0x103: {  	[tilespmem:s30], [sflag:$0x2] =	stream.linear.gather [hbm4b:s18+s5], $0x100, $0x38;
	[tilespmem:$0x1BC00] =	vst v63  }
0x104: {  	s20 =	sadd.s32 $0x1, s20;
	s17 =	sadd.s32 s6, s17  }
0x105: {  	[tilespmem:s31], [sflag:$0x4] =	stream.linear.gather [hbm4b:s17+s5], $0x1400, $0x38;
	[tilespmem:$0x1BC00] =	vst v63  }
.LBB2_10:
0x106: {  	s17 =	simm.s32 $0x8  }
0x107: {  	_ =	swait.ge [sflag:s17], $0x2800  }
0x108: {  	[sflag:s17] =	ssyncset.done $0x0  }
0x109: {  	[sflag:s17] =	ssyncadd.s32 $0xFFFFD800  }
0x10a: {  	_ =	swait.ge [sflag:s8], $0x1400  }
0x10b: {  	[sflag:s8] =	ssyncset.done $0x0  }
0x10c: {  	[sflag:s8] =	ssyncadd.s32 $0xFFFFEC00  }
0x10d: {  	_ =	swait.ge [sflag:s9], $0x2800  }
0x10e: {  	[sflag:s9] =	ssyncset.done $0x0  }
0x10f: {  	s20 =	simm.s32 $0x0;
	[sflag:s9] =	ssyncadd.s32 $0xFFFFD800  }
0x110: {  	v4 =	vld [tilespmem:s20+$0x14200]  }
0x111: {  	v5 =	vld [tilespmem:s20+$0x14210]  }
0x112: {  	v6 =	vld [tilespmem:s20+$0x14220]  }
0x113: {  	v8 =	vld [tilespmem:s20+$0x14230]  }
0x114: {  	v9 =	vld [tilespmem:s20+$0x14240]  }
0x115: {  	v3 =	vld [tilespmem:s20+$0x14250]  }
0x116: {  	v7 =	vld [tilespmem:s20+$0x16A00]  }
0x117: {  	v10 =	vld [tilespmem:s20+$0x16A10]  }
0x118: {  	v2 =	vld [tilespmem:s20+$0x14260]  }
0x119: {  	v11 =	vld [tilespmem:s20+$0x16A20]  }
0x11a: {  	v12 =	vld [tilespmem:s20+$0x16A30];
	v13 =	vshll.u32 v4, $0x10  }
0x11b: {  	v14 =	vld [tilespmem:s20+$0x16A40];
	v4 =	vand.u32 $0xFFFF0000, v4;
	v7 =	vmul.f32 v13, v7  }
0x11c: {  	v1 =	vld [tilespmem:s20+$0x14270];
	v4 =	vmul.f32 v4, v10  }
0x11d: {  	v62 =	vld [tilespmem:s20+$0x16A50];
	[tilespmem:s20+$0x16A00] =	vst v7;
	v7 =	vshll.u32 v5, $0x10  }
0x11e: {  	v15 =	vld [tilespmem:s20+$0x16A60];
	[tilespmem:s20+$0x16A10] =	vst v4;
	v4 =	vand.u32 $0xFFFF0000, v5;
	v7 =	vmul.f32 v7, v11  }
0x11f: {  	v10 =	vld [tilespmem:s20+$0x16A70];
	v5 =	vshll.u32 v6, $0x10;
	v4 =	vmul.f32 v4, v12  }
0x120: {  	v16 =	vld [tilespmem:s20+$0x17E00];
	v11 =	vmul.f32 v5, v14;
	[tilespmem:s20+$0x16A20] =	vst v7  }
0x121: {  	v7 =	vld [tilespmem:s20+$0x17E10];
	[tilespmem:s20+$0x16A30] =	vst v4;
	v4 =	vand.u32 $0xFFFF0000, v6  }
0x122: {  	v5 =	vld [tilespmem:s20+$0x17E20];
	[tilespmem:s20+$0x16A40] =	vst v11;
	v11 =	vshll.u32 v8, $0x10;
	v4 =	vmul.f32 v4, v62  }
0x123: {  	v6 =	vld [tilespmem:s20+$0x17E30];
	v8 =	vand.u32 $0xFFFF0000, v8;
	v11 =	vmul.f32 v11, v15  }
0x124: {  	v63 =	vshll.u32 v9, $0x10;
	v10 =	vmul.f32 v8, v10;
	[tilespmem:s20+$0x16A50] =	vst v4;
	v4 =	vld [tilespmem:s20+$0x17E40]  }
0x125: {  	s17 =	simm.s32 $0x200;
	v8 =	vld [tilespmem:s20+$0x17E50];
	[tilespmem:s20+$0x16A60] =	vst v11;
	v11 =	vand.u32 $0xFFFF0000, v9;
	v9 =	vmul.f32 v63, v16  }
.LBB2_11:
0x126: {  	p0 =	sne.s32 s17, $0x4E00;
	[tilespmem:s20+$0x16A70] =	vst v10;
	v7 =	vmul.f32 v11, v7;
	v10 =	vshll.u32 v3, $0x10;
	v11 =	vld [tilespmem:s20+$0x17E60]  }
0x127: {  	s18 =	sshra.s32 s17, $0x2;
	v3 =	vand.u32 $0xFFFF0000, v3;
	[tilespmem:s20+$0x17E00] =	vst v9;
	v5 =	vmul.f32 v10, v5;
	v9 =	vld [tilespmem:s20+$0x17E70]  }
0x128: {  	v10 =	vld [tilespmem:s18+$0x14200];
	[tilespmem:s20+$0x17E10] =	vst v7;
	v3 =	vmul.f32 v3, v6;
	v6 =	vshll.u32 v2, $0x10  }
0x129: {  	v2 =	vand.u32 $0xFFFF0000, v2;
	v7 =	vld [tilespmem:s18+$0x14210];
	[tilespmem:s20+$0x17E20] =	vst v5;
	v4 =	vmul.f32 v6, v4  }
0x12a: {  	v5 =	vld [tilespmem:s18+$0x14220];
	[tilespmem:s20+$0x17E30] =	vst v3;
	v2 =	vmul.f32 v2, v8;
	v3 =	vshll.u32 v1, $0x10  }
0x12b: {  	v1 =	vand.u32 $0xFFFF0000, v1;
	v6 =	vld [tilespmem:s18+$0x14230];
	[tilespmem:s20+$0x17E40] =	vst v4;
	v4 =	vmul.f32 v3, v11  }
0x12c: {  	v8 =	vld [tilespmem:s18+$0x14240];
	[tilespmem:s20+$0x17E50] =	vst v2;
	v1 =	vmul.f32 v1, v9  }
0x12d: {  	v3 =	vld [tilespmem:s18+$0x14250];
	[tilespmem:s20+$0x17E60] =	vst v4  }
0x12e: {  	v2 =	vld [tilespmem:s18+$0x14260];
	[tilespmem:s20+$0x17E70] =	vst v1;
	s20 =	smov.u32 s18  }
0x12f: {  	v1 =	vld [tilespmem:s20+$0x14270]  }
0x130: {  	v4 =	vld [tilespmem:s20+$0x16A00]  }
0x131: {  	v9 =	vld [tilespmem:s20+$0x16A10]  }
0x132: {  	v11 =	vld [tilespmem:s20+$0x16A20]  }
0x133: {  	v12 =	vld [tilespmem:s20+$0x16A30]  }
0x134: {  	v13 =	vshll.u32 v10, $0x10;
	v14 =	vld [tilespmem:s20+$0x16A40]  }
0x135: {  	v10 =	vand.u32 $0xFFFF0000, v10;
	v4 =	vmul.f32 v13, v4;
	v13 =	vld [tilespmem:s20+$0x16A50]  }
0x136: {  	v9 =	vmul.f32 v10, v9;
	v10 =	vshll.u32 v7, $0x10;
	v15 =	vld [tilespmem:s20+$0x16A60]  }
0x137: {  	[tilespmem:s20+$0x16A00] =	vst v4;
	v4 =	vand.u32 $0xFFFF0000, v7;
	v7 =	vmul.f32 v10, v11;
	v10 =	vld [tilespmem:s20+$0x16A70]  }
0x138: {  	[tilespmem:s20+$0x16A10] =	vst v9;
	v4 =	vmul.f32 v4, v12;
	v9 =	vshll.u32 v5, $0x10;
	v12 =	vld [tilespmem:s20+$0x17E00]  }
.Ltmp5:
0x139: {  	v5 =	vand.u32 $0xFFFF0000, v5;
	[tilespmem:s20+$0x16A20] =	vst v7;
	v9 =	vmul.f32 v9, v14;
	v7 =	vld [tilespmem:s20+$0x17E10];
	(pc) =	sbr.rel @p0 .LBB2_11-.Ltmp5, $4  }
0x13a: {  	v11 =	vshll.u32 v6, $0x10;
	[tilespmem:s20+$0x16A30] =	vst v4;
	v4 =	vmul.f32 v5, v13;
	v5 =	vld [tilespmem:s20+$0x17E20]  }
0x13b: {  	[tilespmem:s20+$0x16A40] =	vst v9;
	v9 =	vand.u32 $0xFFFF0000, v6;
	v11 =	vmul.f32 v11, v15;
	v6 =	vld [tilespmem:s20+$0x17E30]  }
0x13c: {  	[tilespmem:s20+$0x16A50] =	vst v4;
	v10 =	vmul.f32 v9, v10;
	v9 =	vshll.u32 v8, $0x10;
	v4 =	vld [tilespmem:s20+$0x17E40]  }
0x13d: {  	s17 =	sadd.s32 $0x200, s17;
	[tilespmem:s20+$0x16A60] =	vst v11;
	v11 =	vand.u32 $0xFFFF0000, v8;
	v9 =	vmul.f32 v9, v12;
	v8 =	vld [tilespmem:s20+$0x17E50]  }
0x13e: {  	[tilespmem:s20+$0x16A70] =	vst v10;
	v60 =	vld [tilespmem:s20+$0x17E60];
	v7 =	vmul.f32 v11, v7;
	v61 =	vshll.u32 v3, $0x10  }
0x13f: {  	v3 =	vand.u32 $0xFFFF0000, v3;
	v62 =	vld [tilespmem:s20+$0x17E70];
	[tilespmem:s20+$0x17E00] =	vst v9;
	v5 =	vmul.f32 v61, v5  }
0x140: {  	v63 =	vshll.u32 v2, $0x10;
	[tilespmem:s20+$0x17E10] =	vst v7;
	v3 =	vmul.f32 v3, v6  }
0x141: {  	v2 =	vand.u32 $0xFFFF0000, v2;
	[tilespmem:s20+$0x17E20] =	vst v5;
	v4 =	vmul.f32 v63, v4  }
0x142: {  	[tilespmem:s20+$0x17E30] =	vst v3;
	v2 =	vmul.f32 v2, v8;
	v3 =	vshll.u32 v1, $0x10  }
0x143: {  	v1 =	vand.u32 $0xFFFF0000, v1;
	[tilespmem:s20+$0x17E40] =	vst v4;
	v3 =	vmul.f32 v3, v60  }
0x144: {  	v1 =	vmul.f32 v1, v62;
	[tilespmem:s20+$0x17E50] =	vst v2  }
0x145: {  	[tilespmem:s20+$0x17E60] =	vst v3  }
0x146: {  	[tilespmem:s20+$0x17E70] =	vst v1  }
0x147: {  	v1 =	vld [tilespmem:$0x14080]  }
0x148: {  	v2 =	vld [tilespmem:$0x14090]  }
0x149: {  	v3 =	vld [tilespmem:$0x140A0]  }
0x14a: {  	v4 =	vld [tilespmem:$0x140B0]  }
0x14b: {  	v5 =	vld [tilespmem:$0x140C0]  }
0x14c: {  	[tilespmem:$0x1BA80] =	vst v1  }
0x14d: {  	[tilespmem:$0x1BA90] =	vst v2  }
0x14e: {  	[tilespmem:$0x1BAA0] =	vst v3  }
0x14f: {  	[tilespmem:$0x1BAB0] =	vst v4  }
0x150: {  	[tilespmem:$0x1BAC0] =	vst v5  }
0x151: {  	[spmem:s4] =	stream.indirect.scatter.add.f32 [tilespmem:s23], [sflag:$0x7], $0x80, s11, s29, $0xb8;
	[tilespmem:$0x1BC00] =	vst v63  }
0x152: {  	_ =	swait.ge [sflag:s12], $0x2800  }
0x153: {  	[sflag:s12] =	ssyncset.done $0x0  }
0x154: {  	s17 =	stileid.u32;
	[sflag:s12] =	ssyncadd.s32 $0xFFFFD800  }
0x155: {  	s17 =	sshll.u32 s17, $0x6;
	[bflag:$0x0] =	sbarrier.arrive $0xFFFF  }
0x156: {  	s18 =	sshrl.u32 s7, $0x3;
	s17 =	sor.u32 $0x1C09, s17;
	s21 =	rddreg [dreg:$0x10]  }
0x157: {  	[hbm:s21], [sflag:s17] =	dma.local [spmem:s18], $0x2800  }
0x158: {  	_ =	swait.ge [sflag:s24], $0x2800  }
0x159: {  	s19 =	sadd.s32 $0x1, s19;
	s22 =	rddreg [dreg:$0x11]  }
0x15a: {  	p0 =	sne.s32 s19, s22  }
.Ltmp6:
0x15b: {  	_ = 	snop;
	(pc) =	sbr.rel @p0 .LBB2_1-.Ltmp6, $3  }
0x15c: {  	_ =	sdelay $0x1  }
0x15d: {  	[sflag:s24] =	ssyncset.done $0x0  }
0x15e: {  	[sflag:s24] =	ssyncadd.s32 $0xFFFFD800  }
0x15f: {  	_ =	sfence.sel $0x180000  }
0x160: {  	[bflag:$0x0] =	sbarrier.arrive $0xFFFF  }
0x161: {  	_ =	strace $0x90000047  }
0x162: {  	s0 =	stileid.u32;
	[bflag:$0x2] =	sbarrier.arrive $0xFFFF  }
0x163: {  	p0 =	sne.s32 s0, $0x0;
	s0 =	rddreg [dreg:$0x4]  }
0x164: {  	s0 =	sadd.s32 @!p0 $0x100000, s0  }
0x165: {  	[sflag:s0] =	ssyncadd.tile.s32 @!p0 $0x1;
	_ =	shalt  }
.Lfunc_end2:
_tile_overlayer_lowered:
.L_overlay_start_2:
0x166: {  	(tag) =	ssettag $0x2  }
0x167: {  	s0 =	rddreg [dreg:$0x0];
	s2 =	stileid.u32  }
0x168: {  	s1 =	rddreg [dreg:$0x1];
	p0 =	sne.s32 s2, $0x0  }
0x169: {  	s3 =	rddreg [dreg:$0x2];
	[bflag:$0x3] =	sbarrier.arrive $0xFFFF;
	s2 =	simm.s32 @!p0 $0x1C09  }
0x16a: {  	[timem:s3], [sflag:s2] =	dma.local @!p0 [hbm:s0], s1  }
0x16b: {  	s0 =	simm.s32 @!p0 $0x9  }
0x16c: {  	_ =	swait.ge @!p0 [sflag:s0], s1  }
0x16d: {  	s1 =	ssub.s32 @!p0 $0x0, s1;
	[sflag:s0] =	ssyncset.done @!p0 $0x0  }
0x16e: {  	[sflag:s0] =	ssyncadd.s32 @!p0 s1  }
0x16f: {  	[bflag:$0x3] =	sbarrier.arrive $0xFFFF  }
0x170: {  	_ =	shalt  }

</sc_bundles>
